<compile_context>
chip_gen: v7x
topology: tpu7x:2x2x1
jax: 0.10.2.dev20260603
libtpu: 0.0.44.dev20260713+nightly
codegen_flags: <defaults>
</compile_context>

<pallas_src>
import functools

import jax
import jax.numpy as jnp
from jax import lax
from jax.experimental import pallas as pl
from jax.experimental.pallas import tpu as pltpu
from jax.experimental.pallas import tpu_sc as plsc

PAD = 16
NBUF = 8


def _proj_kernel(wt_ref, et_ref, b_ref, out_ref, t_ref):
    pt = (
        jnp.dot(
            wt_ref[:, :],
            et_ref[:, :],
            preferred_element_type=jnp.float32,
            precision=jax.lax.Precision.HIGHEST,
        )
        + b_ref[:, :]
    )
    t_ref[:, :] = pt.T
    blk8 = out_ref.shape[0]
    for k in range(8):
        out_ref[:, k * PAD : (k + 1) * PAD] = t_ref[pl.Slice(k, blk8, 8), :]


def _project_table_t(wt, et, bcol):
    e, v = et.shape
    blk = 12800
    return pl.pallas_call(
        _proj_kernel,
        grid=((v + blk - 1) // blk,),
        in_specs=[
            pl.BlockSpec((PAD, e), lambda i: (0, 0)),
            pl.BlockSpec((e, blk), lambda i: (0, i)),
            pl.BlockSpec((PAD, 1), lambda i: (0, 0)),
        ],
        out_specs=pl.BlockSpec((blk // 8, 8 * PAD), lambda i: (i, 0)),
        out_shape=jax.ShapeDtypeStruct((v // 8, 8 * PAD), jnp.float32),
        scratch_shapes=[pltpu.VMEM((blk, PAD), jnp.float32)],
    )(wt, et, bcol)


@functools.lru_cache(maxsize=None)
def _make_sc_pool(b_total, seq):
    info = plsc.get_sparse_core_info()
    nc, ns = info.num_cores, info.num_subcores
    nw = nc * ns
    nb = b_total // nw
    chunks = ((0, seq),)
    mesh = plsc.VectorSubcoreMesh(core_axis_name="c", subcore_axis_name="s")

    @functools.partial(
        pl.kernel,
        mesh=mesh,
        compiler_params=pltpu.CompilerParams(use_tc_tiling_on_sc=False),
        out_type=jax.ShapeDtypeStruct((b_total, PAD), jnp.float32),
        scratch_types=[
            pltpu.VMEM((nb, seq), jnp.int32),
            pltpu.VMEM((NBUF, seq, PAD), jnp.float32),
            pltpu.VMEM((nb, PAD), jnp.float32),
        ]
        + [pltpu.SemaphoreType.DMA] * NBUF,
    )
    def sc_pool(idx_hbm, p_hbm, out_hbm, idx_v, rows_v, acc_v, *sems):
        wid = lax.axis_index("s") * nc + lax.axis_index("c")
        pltpu.sync_copy(idx_hbm.at[pl.ds(wid * nb, nb), :], idx_v)

        def fire(e, buf):
            for off, n in chunks:
                pltpu.async_copy(
                    p_hbm.at[idx_v.at[e, pl.ds(off, n)]],
                    rows_v.at[buf, pl.ds(off, n), :],
                    sems[buf],
                )

        def drain(e, buf):
            for off, n in chunks:
                pltpu.make_async_copy(
                    p_hbm.at[idx_v.at[e, pl.ds(off, n)]],
                    rows_v.at[buf, pl.ds(off, n), :],
                    sems[buf],
                ).wait()

        def accumulate(e, buf):
            z = jnp.zeros((PAD,), jnp.float32)

            def inner(i, accs):
                a0, a1, a2, a3 = accs
                r = i * 4
                return (
                    a0 + rows_v[buf, r, :],
                    a1 + rows_v[buf, r + 1, :],
                    a2 + rows_v[buf, r + 2, :],
                    a3 + rows_v[buf, r + 3, :],
                )

            a0, a1, a2, a3 = lax.fori_loop(0, seq // 4, inner, (z, z, z, z))
            acc_v[e, :] = (a0 + a1) + (a2 + a3)

        for j in range(NBUF):
            fire(j, j)

        def body(g, _):
            for j in range(NBUF):
                e = g * NBUF + j
                drain(e, j)

                @pl.when(e + NBUF < nb)
                def _():
                    fire(e + NBUF, j)

                accumulate(e, j)
            return 0

        lax.fori_loop(0, nb // NBUF, body, 0)
        pltpu.sync_copy(acc_v, out_hbm.at[pl.ds(wid * nb, nb), :])

    return sc_pool


def kernel(x, emb_table, fc_w, fc_b):
    b, s = x.shape
    v, e = emb_table.shape
    ncls = fc_w.shape[0]
    inv_s = 1.0 / s
    wt = jnp.zeros((PAD, e), jnp.float32).at[:ncls, :].set(fc_w * inv_s)
    bcol = jnp.zeros((PAD, 1), jnp.float32).at[:ncls, 0].set(fc_b * inv_s)
    p8 = _project_table_t(wt, emb_table.T, bcol)
    p = p8.reshape(v, PAD)
    idx = x.astype(jnp.int32)
    out16 = _make_sc_pool(b, s)(idx, p)
    return out16[:, :ncls]

# --- scband reference (transcript-rebuilt; emitter-appended) ---
"""Pipeline reference for scband-sentiment-model-74259984548197 (READ-ONLY COPY).

The authoritative reference and input builder live on the scoring server;
editing this copy changes nothing except your own understanding.
"""

import jax, jax.numpy as jnp
import numpy as np

VOCAB = 100000
EMBED = 50
NCLS = 3
BATCH = 4096
SEQ = 200

def setup_inputs(seed: int = 0) -> dict:
    key = jax.random.key(seed)
    k1, k2, k3, k4 = jax.random.split(key, 4)
    x = jax.random.randint(k1, (BATCH, SEQ), 0, VOCAB, dtype=jnp.int64 if jax.config.jax_enable_x64 else jnp.int32)
    emb_table = jax.random.normal(k2, (VOCAB, EMBED), dtype=jnp.float32)
    fc_w = jax.random.normal(k3, (NCLS, EMBED), dtype=jnp.float32) * (1.0 / np.sqrt(EMBED))
    fc_b = jax.random.normal(k4, (NCLS,), dtype=jnp.float32) * 0.01
    return {"x": x, "emb_table": emb_table, "fc_w": fc_w, "fc_b": fc_b}

def reference(x, emb_table, fc_w, fc_b):
    # nn.Embedding lookup: gather rows
    e = jnp.take(emb_table, x, axis=0)          # [B, S, 50]
    m = jnp.mean(e, axis=1)                      # [B, 50]
    out = m @ fc_w.T + fc_b                      # [B, 3]
    return out

if __name__ == "__main__":
    import jax
    _d = setup_inputs()
    print(jax.jit(kernel)(*tuple(_d.values())))

</pallas_src>

<mosaic_0001>
#map = affine_map<(d0, d1) -> (0, 0)>
module attributes {stable_mosaic.version = 14 : i64} {
  func.func @sc_pool(%arg0: i32, %arg1: i32, %arg2: memref<4096x200xi32, #tpu.memory_space<hbm>>, %arg3: memref<100000x16xf32, #tpu.memory_space<hbm>>, %arg4: memref<4096x16xf32, #tpu.memory_space<hbm>>, %arg5: memref<128x200xi32, #tpu.memory_space<vmem>>, %arg6: memref<8x200x16xf32, #tpu.memory_space<vmem>>, %arg7: memref<128x16xf32, #tpu.memory_space<vmem>>, %arg8: memref<!tpu.dma_semaphore, #tpu.memory_space<semaphore_mem>>, %arg9: memref<!tpu.dma_semaphore, #tpu.memory_space<semaphore_mem>>, %arg10: memref<!tpu.dma_semaphore, #tpu.memory_space<semaphore_mem>>, %arg11: memref<!tpu.dma_semaphore, #tpu.memory_space<semaphore_mem>>, %arg12: memref<!tpu.dma_semaphore, #tpu.memory_space<semaphore_mem>>, %arg13: memref<!tpu.dma_semaphore, #tpu.memory_space<semaphore_mem>>, %arg14: memref<!tpu.dma_semaphore, #tpu.memory_space<semaphore_mem>>, %arg15: memref<!tpu.dma_semaphore, #tpu.memory_space<semaphore_mem>>) attributes {dimension_semantics = [#tpu.dimension_semantics<core_parallel>, #tpu.dimension_semantics<subcore_parallel>], iteration_bounds = array<i64: 2, 16>, scalar_prefetch = 0 : i64, scratch_operands = 11 : i64, tpu.core_type = #tpu.core_type<sc_vector_subcore>, window_params = [{transform_indices = #map}, {transform_indices = #map}, {transform_indices = #map}]} {
    %mul3A = arith.constant 2 : i32
    %mul3A_0 = arith.muli %arg1, %mul3A : i32
    %add3A = arith.addi %mul3A_0, %arg0 : i32
    %mul3A_1 = arith.constant 128 : i32
    %mul3A_2 = arith.muli %add3A, %mul3A_1 : i32
    "tpu.region"() ({
      %run_scoped3A = tpu.sem_alloc : memref<!tpu.dma_semaphore, #tpu.memory_space<semaphore_mem>>
      %dma_start3A_106 = arith.constant 0 : i32
      %dma_start3A_107 = tpu.memref_slice %arg2[%mul3A_2, %dma_start3A_106] : memref<4096x200xi32, #tpu.memory_space<hbm>> -> memref<128x200xi32, #tpu.memory_space<hbm>>
      %dma_start3A_108 = arith.constant 0 : i32
      %dma_start3A_109 = tpu.memref_slice %arg2[%mul3A_2, %dma_start3A_108] : memref<4096x200xi32, #tpu.memory_space<hbm>> -> memref<128x200xi32, #tpu.memory_space<hbm>>
      tpu.enqueue_dma source(%dma_start3A_109 : memref<128x200xi32, #tpu.memory_space<hbm>>) target(%arg5 : memref<128x200xi32, #tpu.memory_space<vmem>>) target_semaphore(%run_scoped3A : memref<!tpu.dma_semaphore, #tpu.memory_space<semaphore_mem>>)
      %dma_wait3A = arith.constant 0 : i32
      %dma_wait3A_110 = tpu.memref_slice %arg2[%mul3A_2, %dma_wait3A] : memref<4096x200xi32, #tpu.memory_space<hbm>> -> memref<128x200xi32, #tpu.memory_space<hbm>>
      %dma_wait3A_111 = arith.constant 0 : i32
      %dma_wait3A_112 = tpu.memref_slice %arg2[%mul3A_2, %dma_wait3A_111] : memref<4096x200xi32, #tpu.memory_space<hbm>> -> memref<128x200xi32, #tpu.memory_space<hbm>>
      tpu.wait_dma2 semaphore(%run_scoped3A : memref<!tpu.dma_semaphore, #tpu.memory_space<semaphore_mem>>) src(%dma_wait3A_112 : memref<128x200xi32, #tpu.memory_space<hbm>>) dst(%arg5 : memref<128x200xi32, #tpu.memory_space<vmem>>)
      tpu.yield
    }) : () -> ()
    %dma_start3A = arith.constant 0 : i32
    %dma_start3A_3 = arith.constant 0 : i32
    %dma_start3A_4 = arith.constant 0 : i32
    %dma_start3A_5 = arith.constant 0 : i32
    %dma_start3A_6 = tpu.memref_slice %arg6[%dma_start3A_3, %dma_start3A_4, %dma_start3A_5] : memref<8x200x16xf32, #tpu.memory_space<vmem>> -> memref<1x200x16xf32, #tpu.memory_space<vmem>>
    %dma_start3A_7 = tpu.memref_squeeze %dma_start3A_6 : memref<1x200x16xf32, #tpu.memory_space<vmem>> -> memref<200x16xf32, #tpu.memory_space<vmem>>
    %dma_start3A_8 = arith.constant 0 : i32
    %dma_start3A_9 = tpu.memref_slice %arg5[%dma_start3A, %dma_start3A_8] : memref<128x200xi32, #tpu.memory_space<vmem>> -> memref<1x200xi32, #tpu.memory_space<vmem>>
    %dma_start3A_10 = tpu.memref_squeeze %dma_start3A_9 : memref<1x200xi32, #tpu.memory_space<vmem>> -> memref<200xi32, #tpu.memory_space<vmem>>
    %dma_start3A_11 = arith.constant 0 : i32
    %dma_start3A_12 = arith.constant 0 : i32
    %dma_start3A_13 = tpu.memref_slice %arg3[%dma_start3A_11, %dma_start3A_12] : memref<100000x16xf32, #tpu.memory_space<hbm>> -> memref<100000x16xf32, #tpu.memory_space<hbm>>
    tpu.enqueue_indirect_dma source(%dma_start3A_13 : memref<100000x16xf32, #tpu.memory_space<hbm>>) target(%dma_start3A_7 : memref<200x16xf32, #tpu.memory_space<vmem>>) offsets(%dma_start3A_10 : memref<200xi32, #tpu.memory_space<vmem>>) semaphore(%arg8 : memref<!tpu.dma_semaphore, #tpu.memory_space<semaphore_mem>>)
    %dma_start3A_14 = arith.constant 1 : i32
    %dma_start3A_15 = arith.constant 1 : i32
    %dma_start3A_16 = arith.constant 0 : i32
    %dma_start3A_17 = arith.constant 0 : i32
    %dma_start3A_18 = tpu.memref_slice %arg6[%dma_start3A_15, %dma_start3A_16, %dma_start3A_17] : memref<8x200x16xf32, #tpu.memory_space<vmem>> -> memref<1x200x16xf32, #tpu.memory_space<vmem>>
    %dma_start3A_19 = tpu.memref_squeeze %dma_start3A_18 : memref<1x200x16xf32, #tpu.memory_space<vmem>> -> memref<200x16xf32, #tpu.memory_space<vmem>>
    %dma_start3A_20 = arith.constant 0 : i32
    %dma_start3A_21 = tpu.memref_slice %arg5[%dma_start3A_14, %dma_start3A_20] : memref<128x200xi32, #tpu.memory_space<vmem>> -> memref<1x200xi32, #tpu.memory_space<vmem>>
    %dma_start3A_22 = tpu.memref_squeeze %dma_start3A_21 : memref<1x200xi32, #tpu.memory_space<vmem>> -> memref<200xi32, #tpu.memory_space<vmem>>
    %dma_start3A_23 = arith.constant 0 : i32
    %dma_start3A_24 = arith.constant 0 : i32
    %dma_start3A_25 = tpu.memref_slice %arg3[%dma_start3A_23, %dma_start3A_24] : memref<100000x16xf32, #tpu.memory_space<hbm>> -> memref<100000x16xf32, #tpu.memory_space<hbm>>
    tpu.enqueue_indirect_dma source(%dma_start3A_25 : memref<100000x16xf32, #tpu.memory_space<hbm>>) target(%dma_start3A_19 : memref<200x16xf32, #tpu.memory_space<vmem>>) offsets(%dma_start3A_22 : memref<200xi32, #tpu.memory_space<vmem>>) semaphore(%arg9 : memref<!tpu.dma_semaphore, #tpu.memory_space<semaphore_mem>>)
    %dma_start3A_26 = arith.constant 2 : i32
    %dma_start3A_27 = arith.constant 2 : i32
    %dma_start3A_28 = arith.constant 0 : i32
    %dma_start3A_29 = arith.constant 0 : i32
    %dma_start3A_30 = tpu.memref_slice %arg6[%dma_start3A_27, %dma_start3A_28, %dma_start3A_29] : memref<8x200x16xf32, #tpu.memory_space<vmem>> -> memref<1x200x16xf32, #tpu.memory_space<vmem>>
    %dma_start3A_31 = tpu.memref_squeeze %dma_start3A_30 : memref<1x200x16xf32, #tpu.memory_space<vmem>> -> memref<200x16xf32, #tpu.memory_space<vmem>>
    %dma_start3A_32 = arith.constant 0 : i32
    %dma_start3A_33 = tpu.memref_slice %arg5[%dma_start3A_26, %dma_start3A_32] : memref<128x200xi32, #tpu.memory_space<vmem>> -> memref<1x200xi32, #tpu.memory_space<vmem>>
    %dma_start3A_34 = tpu.memref_squeeze %dma_start3A_33 : memref<1x200xi32, #tpu.memory_space<vmem>> -> memref<200xi32, #tpu.memory_space<vmem>>
    %dma_start3A_35 = arith.constant 0 : i32
    %dma_start3A_36 = arith.constant 0 : i32
    %dma_start3A_37 = tpu.memref_slice %arg3[%dma_start3A_35, %dma_start3A_36] : memref<100000x16xf32, #tpu.memory_space<hbm>> -> memref<100000x16xf32, #tpu.memory_space<hbm>>
    tpu.enqueue_indirect_dma source(%dma_start3A_37 : memref<100000x16xf32, #tpu.memory_space<hbm>>) target(%dma_start3A_31 : memref<200x16xf32, #tpu.memory_space<vmem>>) offsets(%dma_start3A_34 : memref<200xi32, #tpu.memory_space<vmem>>) semaphore(%arg10 : memref<!tpu.dma_semaphore, #tpu.memory_space<semaphore_mem>>)
    %dma_start3A_38 = arith.constant 3 : i32
    %dma_start3A_39 = arith.constant 3 : i32
    %dma_start3A_40 = arith.constant 0 : i32
    %dma_start3A_41 = arith.constant 0 : i32
    %dma_start3A_42 = tpu.memref_slice %arg6[%dma_start3A_39, %dma_start3A_40, %dma_start3A_41] : memref<8x200x16xf32, #tpu.memory_space<vmem>> -> memref<1x200x16xf32, #tpu.memory_space<vmem>>
    %dma_start3A_43 = tpu.memref_squeeze %dma_start3A_42 : memref<1x200x16xf32, #tpu.memory_space<vmem>> -> memref<200x16xf32, #tpu.memory_space<vmem>>
    %dma_start3A_44 = arith.constant 0 : i32
    %dma_start3A_45 = tpu.memref_slice %arg5[%dma_start3A_38, %dma_start3A_44] : memref<128x200xi32, #tpu.memory_space<vmem>> -> memref<1x200xi32, #tpu.memory_space<vmem>>
    %dma_start3A_46 = tpu.memref_squeeze %dma_start3A_45 : memref<1x200xi32, #tpu.memory_space<vmem>> -> memref<200xi32, #tpu.memory_space<vmem>>
    %dma_start3A_47 = arith.constant 0 : i32
    %dma_start3A_48 = arith.constant 0 : i32
    %dma_start3A_49 = tpu.memref_slice %arg3[%dma_start3A_47, %dma_start3A_48] : memref<100000x16xf32, #tpu.memory_space<hbm>> -> memref<100000x16xf32, #tpu.memory_space<hbm>>
    tpu.enqueue_indirect_dma source(%dma_start3A_49 : memref<100000x16xf32, #tpu.memory_space<hbm>>) target(%dma_start3A_43 : memref<200x16xf32, #tpu.memory_space<vmem>>) offsets(%dma_start3A_46 : memref<200xi32, #tpu.memory_space<vmem>>) semaphore(%arg11 : memref<!tpu.dma_semaphore, #tpu.memory_space<semaphore_mem>>)
    %dma_start3A_50 = arith.constant 4 : i32
    %dma_start3A_51 = arith.constant 4 : i32
    %dma_start3A_52 = arith.constant 0 : i32
    %dma_start3A_53 = arith.constant 0 : i32
    %dma_start3A_54 = tpu.memref_slice %arg6[%dma_start3A_51, %dma_start3A_52, %dma_start3A_53] : memref<8x200x16xf32, #tpu.memory_space<vmem>> -> memref<1x200x16xf32, #tpu.memory_space<vmem>>
    %dma_start3A_55 = tpu.memref_squeeze %dma_start3A_54 : memref<1x200x16xf32, #tpu.memory_space<vmem>> -> memref<200x16xf32, #tpu.memory_space<vmem>>
    %dma_start3A_56 = arith.constant 0 : i32
    %dma_start3A_57 = tpu.memref_slice %arg5[%dma_start3A_50, %dma_start3A_56] : memref<128x200xi32, #tpu.memory_space<vmem>> -> memref<1x200xi32, #tpu.memory_space<vmem>>
    %dma_start3A_58 = tpu.memref_squeeze %dma_start3A_57 : memref<1x200xi32, #tpu.memory_space<vmem>> -> memref<200xi32, #tpu.memory_space<vmem>>
    %dma_start3A_59 = arith.constant 0 : i32
    %dma_start3A_60 = arith.constant 0 : i32
    %dma_start3A_61 = tpu.memref_slice %arg3[%dma_start3A_59, %dma_start3A_60] : memref<100000x16xf32, #tpu.memory_space<hbm>> -> memref<100000x16xf32, #tpu.memory_space<hbm>>
    tpu.enqueue_indirect_dma source(%dma_start3A_61 : memref<100000x16xf32, #tpu.memory_space<hbm>>) target(%dma_start3A_55 : memref<200x16xf32, #tpu.memory_space<vmem>>) offsets(%dma_start3A_58 : memref<200xi32, #tpu.memory_space<vmem>>) semaphore(%arg12 : memref<!tpu.dma_semaphore, #tpu.memory_space<semaphore_mem>>)
    %dma_start3A_62 = arith.constant 5 : i32
    %dma_start3A_63 = arith.constant 5 : i32
    %dma_start3A_64 = arith.constant 0 : i32
    %dma_start3A_65 = arith.constant 0 : i32
    %dma_start3A_66 = tpu.memref_slice %arg6[%dma_start3A_63, %dma_start3A_64, %dma_start3A_65] : memref<8x200x16xf32, #tpu.memory_space<vmem>> -> memref<1x200x16xf32, #tpu.memory_space<vmem>>
    %dma_start3A_67 = tpu.memref_squeeze %dma_start3A_66 : memref<1x200x16xf32, #tpu.memory_space<vmem>> -> memref<200x16xf32, #tpu.memory_space<vmem>>
    %dma_start3A_68 = arith.constant 0 : i32
    %dma_start3A_69 = tpu.memref_slice %arg5[%dma_start3A_62, %dma_start3A_68] : memref<128x200xi32, #tpu.memory_space<vmem>> -> memref<1x200xi32, #tpu.memory_space<vmem>>
    %dma_start3A_70 = tpu.memref_squeeze %dma_start3A_69 : memref<1x200xi32, #tpu.memory_space<vmem>> -> memref<200xi32, #tpu.memory_space<vmem>>
    %dma_start3A_71 = arith.constant 0 : i32
    %dma_start3A_72 = arith.constant 0 : i32
    %dma_start3A_73 = tpu.memref_slice %arg3[%dma_start3A_71, %dma_start3A_72] : memref<100000x16xf32, #tpu.memory_space<hbm>> -> memref<100000x16xf32, #tpu.memory_space<hbm>>
    tpu.enqueue_indirect_dma source(%dma_start3A_73 : memref<100000x16xf32, #tpu.memory_space<hbm>>) target(%dma_start3A_67 : memref<200x16xf32, #tpu.memory_space<vmem>>) offsets(%dma_start3A_70 : memref<200xi32, #tpu.memory_space<vmem>>) semaphore(%arg13 : memref<!tpu.dma_semaphore, #tpu.memory_space<semaphore_mem>>)
    %dma_start3A_74 = arith.constant 6 : i32
    %dma_start3A_75 = arith.constant 6 : i32
    %dma_start3A_76 = arith.constant 0 : i32
    %dma_start3A_77 = arith.constant 0 : i32
    %dma_start3A_78 = tpu.memref_slice %arg6[%dma_start3A_75, %dma_start3A_76, %dma_start3A_77] : memref<8x200x16xf32, #tpu.memory_space<vmem>> -> memref<1x200x16xf32, #tpu.memory_space<vmem>>
    %dma_start3A_79 = tpu.memref_squeeze %dma_start3A_78 : memref<1x200x16xf32, #tpu.memory_space<vmem>> -> memref<200x16xf32, #tpu.memory_space<vmem>>
    %dma_start3A_80 = arith.constant 0 : i32
    %dma_start3A_81 = tpu.memref_slice %arg5[%dma_start3A_74, %dma_start3A_80] : memref<128x200xi32, #tpu.memory_space<vmem>> -> memref<1x200xi32, #tpu.memory_space<vmem>>
    %dma_start3A_82 = tpu.memref_squeeze %dma_start3A_81 : memref<1x200xi32, #tpu.memory_space<vmem>> -> memref<200xi32, #tpu.memory_space<vmem>>
    %dma_start3A_83 = arith.constant 0 : i32
    %dma_start3A_84 = arith.constant 0 : i32
    %dma_start3A_85 = tpu.memref_slice %arg3[%dma_start3A_83, %dma_start3A_84] : memref<100000x16xf32, #tpu.memory_space<hbm>> -> memref<100000x16xf32, #tpu.memory_space<hbm>>
    tpu.enqueue_indirect_dma source(%dma_start3A_85 : memref<100000x16xf32, #tpu.memory_space<hbm>>) target(%dma_start3A_79 : memref<200x16xf32, #tpu.memory_space<vmem>>) offsets(%dma_start3A_82 : memref<200xi32, #tpu.memory_space<vmem>>) semaphore(%arg14 : memref<!tpu.dma_semaphore, #tpu.memory_space<semaphore_mem>>)
    %dma_start3A_86 = arith.constant 7 : i32
    %dma_start3A_87 = arith.constant 7 : i32
    %dma_start3A_88 = arith.constant 0 : i32
    %dma_start3A_89 = arith.constant 0 : i32
    %dma_start3A_90 = tpu.memref_slice %arg6[%dma_start3A_87, %dma_start3A_88, %dma_start3A_89] : memref<8x200x16xf32, #tpu.memory_space<vmem>> -> memref<1x200x16xf32, #tpu.memory_space<vmem>>
    %dma_start3A_91 = tpu.memref_squeeze %dma_start3A_90 : memref<1x200x16xf32, #tpu.memory_space<vmem>> -> memref<200x16xf32, #tpu.memory_space<vmem>>
    %dma_start3A_92 = arith.constant 0 : i32
    %dma_start3A_93 = tpu.memref_slice %arg5[%dma_start3A_86, %dma_start3A_92] : memref<128x200xi32, #tpu.memory_space<vmem>> -> memref<1x200xi32, #tpu.memory_space<vmem>>
    %dma_start3A_94 = tpu.memref_squeeze %dma_start3A_93 : memref<1x200xi32, #tpu.memory_space<vmem>> -> memref<200xi32, #tpu.memory_space<vmem>>
    %dma_start3A_95 = arith.constant 0 : i32
    %dma_start3A_96 = arith.constant 0 : i32
    %dma_start3A_97 = tpu.memref_slice %arg3[%dma_start3A_95, %dma_start3A_96] : memref<100000x16xf32, #tpu.memory_space<hbm>> -> memref<100000x16xf32, #tpu.memory_space<hbm>>
    tpu.enqueue_indirect_dma source(%dma_start3A_97 : memref<100000x16xf32, #tpu.memory_space<hbm>>) target(%dma_start3A_91 : memref<200x16xf32, #tpu.memory_space<vmem>>) offsets(%dma_start3A_94 : memref<200xi32, #tpu.memory_space<vmem>>) semaphore(%arg15 : memref<!tpu.dma_semaphore, #tpu.memory_space<semaphore_mem>>)
    %scan3A = arith.constant 0 : i32
    %scan3A_98 = arith.constant 0 : i32
    %scan3A_99 = arith.constant 16 : i32
    %scan3A_100 = arith.addi %scan3A_98, %scan3A_99 : i32
    %scan3A_101 = arith.constant 1 : i32
    %scan3A_102 = scf.for %scan3A_106 = %scan3A_98 to %scan3A_100 step %scan3A_101 iter_args(%scan3A_107 = %scan3A) -> (i32)  : i32 {
      %mul3A_108 = arith.constant 8 : i32
      %mul3A_109 = arith.muli %scan3A_106, %mul3A_108 : i32
      %add3A_110 = arith.constant 0 : i32
      %add3A_111 = arith.addi %mul3A_109, %add3A_110 : i32
      %dma_wait3A = arith.constant 0 : i32
      %dma_wait3A_112 = arith.constant 0 : i32
      %dma_wait3A_113 = arith.constant 0 : i32
      %dma_wait3A_114 = tpu.memref_slice %arg6[%dma_wait3A, %dma_wait3A_112, %dma_wait3A_113] : memref<8x200x16xf32, #tpu.memory_space<vmem>> -> memref<1x200x16xf32, #tpu.memory_space<vmem>>
      %dma_wait3A_115 = tpu.memref_squeeze %dma_wait3A_114 : memref<1x200x16xf32, #tpu.memory_space<vmem>> -> memref<200x16xf32, #tpu.memory_space<vmem>>
      %dma_wait3A_116 = arith.constant 0 : i32
      %dma_wait3A_117 = tpu.memref_slice %arg5[%add3A_111, %dma_wait3A_116] : memref<128x200xi32, #tpu.memory_space<vmem>> -> memref<1x200xi32, #tpu.memory_space<vmem>>
      %dma_wait3A_118 = tpu.memref_squeeze %dma_wait3A_117 : memref<1x200xi32, #tpu.memory_space<vmem>> -> memref<200xi32, #tpu.memory_space<vmem>>
      %dma_wait3A_119 = arith.constant 0 : i32
      %dma_wait3A_120 = arith.constant 0 : i32
      %dma_wait3A_121 = tpu.memref_slice %arg3[%dma_wait3A_119, %dma_wait3A_120] : memref<100000x16xf32, #tpu.memory_space<hbm>> -> memref<100000x16xf32, #tpu.memory_space<hbm>>
      tpu.wait_indirect_dma semaphore(%arg8 : memref<!tpu.dma_semaphore, #tpu.memory_space<semaphore_mem>>) src(%dma_wait3A_121 : memref<100000x16xf32, #tpu.memory_space<hbm>>) dst(%dma_wait3A_115 : memref<200x16xf32, #tpu.memory_space<vmem>>)
      %add3A_122 = arith.constant 8 : i32
      %add3A_123 = arith.addi %add3A_111, %add3A_122 : i32
      %lt3A = arith.constant 128 : i32
      %lt3A_124 = arith.cmpi slt, %add3A_123, %lt3A : i32
      %convert_element_type3A = arith.extui %lt3A_124 : i1 to i32
      %cond3A = arith.constant 0 : i32
      %cond3A_125 = arith.cmpi ne, %convert_element_type3A, %cond3A : i32
      scf.if %cond3A_125 {
        %add3A_407 = arith.constant 8 : i32
        %add3A_408 = arith.addi %add3A_111, %add3A_407 : i32
        %dma_start3A_409 = arith.constant 0 : i32
        %dma_start3A_410 = arith.constant 0 : i32
        %dma_start3A_411 = arith.constant 0 : i32
        %dma_start3A_412 = tpu.memref_slice %arg6[%dma_start3A_409, %dma_start3A_410, %dma_start3A_411] : memref<8x200x16xf32, #tpu.memory_space<vmem>> -> memref<1x200x16xf32, #tpu.memory_space<vmem>>
        %dma_start3A_413 = tpu.memref_squeeze %dma_start3A_412 : memref<1x200x16xf32, #tpu.memory_space<vmem>> -> memref<200x16xf32, #tpu.memory_space<vmem>>
        %dma_start3A_414 = arith.constant 0 : i32
        %dma_start3A_415 = tpu.memref_slice %arg5[%add3A_408, %dma_start3A_414] : memref<128x200xi32, #tpu.memory_space<vmem>> -> memref<1x200xi32, #tpu.memory_space<vmem>>
        %dma_start3A_416 = tpu.memref_squeeze %dma_start3A_415 : memref<1x200xi32, #tpu.memory_space<vmem>> -> memref<200xi32, #tpu.memory_space<vmem>>
        %dma_start3A_417 = arith.constant 0 : i32
        %dma_start3A_418 = arith.constant 0 : i32
        %dma_start3A_419 = tpu.memref_slice %arg3[%dma_start3A_417, %dma_start3A_418] : memref<100000x16xf32, #tpu.memory_space<hbm>> -> memref<100000x16xf32, #tpu.memory_space<hbm>>
        tpu.enqueue_indirect_dma source(%dma_start3A_419 : memref<100000x16xf32, #tpu.memory_space<hbm>>) target(%dma_start3A_413 : memref<200x16xf32, #tpu.memory_space<vmem>>) offsets(%dma_start3A_416 : memref<200xi32, #tpu.memory_space<vmem>>) semaphore(%arg8 : memref<!tpu.dma_semaphore, #tpu.memory_space<semaphore_mem>>)
      } else {
      }
      %broadcast_in_dim3A = arith.constant 0.000000e+00 : f32
      %broadcast_in_dim3A_126 = vector.broadcast %broadcast_in_dim3A : f32 to vector<16xf32>
      %scan3A_127 = arith.constant 0 : i32
      %scan3A_128 = arith.constant 50 : i32
      %scan3A_129 = arith.addi %scan3A_127, %scan3A_128 : i32
      %scan3A_130 = arith.constant 1 : i32
      %scan3A_131:4 = scf.for %scan3A_407 = %scan3A_127 to %scan3A_129 step %scan3A_130 iter_args(%scan3A_408 = %broadcast_in_dim3A_126, %scan3A_409 = %broadcast_in_dim3A_126, %scan3A_410 = %broadcast_in_dim3A_126, %scan3A_411 = %broadcast_in_dim3A_126) -> (vector<16xf32>, vector<16xf32>, vector<16xf32>, vector<16xf32>)  : i32 {
        %mul3A_412 = arith.constant 4 : i32
        %mul3A_413 = arith.muli %scan3A_407, %mul3A_412 : i32
        %get3A = arith.constant 0 : i32
        %get3A_414 = arith.index_cast %get3A : i32 to index
        %get3A_415 = arith.index_cast %mul3A_413 : i32 to index
        %get3A_416 = arith.constant 0 : index
        %get3A_417 = tpu.vector_load %arg6[%get3A_414, %get3A_415, %get3A_416] {strides = array<i32>} : memref<8x200x16xf32, #tpu.memory_space<vmem>>, vector<1x1x16xf32>,
        %get3A_418 = vector.shape_cast %get3A_417 : vector<1x1x16xf32> to vector<16xf32>
        %add3A_419 = arith.addf %scan3A_408, %get3A_418 : vector<16xf32>
        %add3A_420 = arith.constant 1 : i32
        %add3A_421 = arith.addi %mul3A_413, %add3A_420 : i32
        %get3A_422 = arith.constant 0 : i32
        %get3A_423 = arith.index_cast %get3A_422 : i32 to index
        %get3A_424 = arith.index_cast %add3A_421 : i32 to index
        %get3A_425 = arith.constant 0 : index
        %get3A_426 = tpu.vector_load %arg6[%get3A_423, %get3A_424, %get3A_425] {strides = array<i32>} : memref<8x200x16xf32, #tpu.memory_space<vmem>>, vector<1x1x16xf32>,
        %get3A_427 = vector.shape_cast %get3A_426 : vector<1x1x16xf32> to vector<16xf32>
        %add3A_428 = arith.addf %scan3A_409, %get3A_427 : vector<16xf32>
        %add3A_429 = arith.constant 2 : i32
        %add3A_430 = arith.addi %mul3A_413, %add3A_429 : i32
        %get3A_431 = arith.constant 0 : i32
        %get3A_432 = arith.index_cast %get3A_431 : i32 to index
        %get3A_433 = arith.index_cast %add3A_430 : i32 to index
        %get3A_434 = arith.constant 0 : index
        %get3A_435 = tpu.vector_load %arg6[%get3A_432, %get3A_433, %get3A_434] {strides = array<i32>} : memref<8x200x16xf32, #tpu.memory_space<vmem>>, vector<1x1x16xf32>,
        %get3A_436 = vector.shape_cast %get3A_435 : vector<1x1x16xf32> to vector<16xf32>
        %add3A_437 = arith.addf %scan3A_410, %get3A_436 : vector<16xf32>
        %add3A_438 = arith.constant 3 : i32
        %add3A_439 = arith.addi %mul3A_413, %add3A_438 : i32
        %get3A_440 = arith.constant 0 : i32
        %get3A_441 = arith.index_cast %get3A_440 : i32 to index
        %get3A_442 = arith.index_cast %add3A_439 : i32 to index
        %get3A_443 = arith.constant 0 : index
        %get3A_444 = tpu.vector_load %arg6[%get3A_441, %get3A_442, %get3A_443] {strides = array<i32>} : memref<8x200x16xf32, #tpu.memory_space<vmem>>, vector<1x1x16xf32>,
        %get3A_445 = vector.shape_cast %get3A_444 : vector<1x1x16xf32> to vector<16xf32>
        %add3A_446 = arith.addf %scan3A_411, %get3A_445 : vector<16xf32>
        scf.yield %add3A_419, %add3A_428, %add3A_437, %add3A_446 : vector<16xf32>, vector<16xf32>, vector<16xf32>, vector<16xf32>
      }
      %scan3A_132 = arith.constant 50 : i32
      %add3A_133 = arith.addf %scan3A_131#0, %scan3A_131#1 : vector<16xf32>
      %add3A_134 = arith.addf %scan3A_131#2, %scan3A_131#3 : vector<16xf32>
      %add3A_135 = arith.addf %add3A_133, %add3A_134 : vector<16xf32>
      %swap3A = arith.index_cast %add3A_111 : i32 to index
      %swap3A_136 = arith.constant 0 : index
      %swap3A_137 = tpu.vector_load %arg7[%swap3A, %swap3A_136] {strides = array<i32>} : memref<128x16xf32, #tpu.memory_space<vmem>>, vector<1x16xf32>,
      %swap3A_138 = vector.shape_cast %swap3A_137 : vector<1x16xf32> to vector<16xf32>
      %swap3A_139 = vector.shape_cast %add3A_135 : vector<16xf32> to vector<1x16xf32>
      tpu.vector_store %arg7[%swap3A, %swap3A_136], %swap3A_139 {strides = array<i32>} : memref<128x16xf32, #tpu.memory_space<vmem>>, vector<1x16xf32>,
      %mul3A_140 = arith.constant 8 : i32
      %mul3A_141 = arith.muli %scan3A_106, %mul3A_140 : i32
      %add3A_142 = arith.constant 1 : i32
      %add3A_143 = arith.addi %mul3A_141, %add3A_142 : i32
      %dma_wait3A_144 = arith.constant 1 : i32
      %dma_wait3A_145 = arith.constant 0 : i32
      %dma_wait3A_146 = arith.constant 0 : i32
      %dma_wait3A_147 = tpu.memref_slice %arg6[%dma_wait3A_144, %dma_wait3A_145, %dma_wait3A_146] : memref<8x200x16xf32, #tpu.memory_space<vmem>> -> memref<1x200x16xf32, #tpu.memory_space<vmem>>
      %dma_wait3A_148 = tpu.memref_squeeze %dma_wait3A_147 : memref<1x200x16xf32, #tpu.memory_space<vmem>> -> memref<200x16xf32, #tpu.memory_space<vmem>>
      %dma_wait3A_149 = arith.constant 0 : i32
      %dma_wait3A_150 = tpu.memref_slice %arg5[%add3A_143, %dma_wait3A_149] : memref<128x200xi32, #tpu.memory_space<vmem>> -> memref<1x200xi32, #tpu.memory_space<vmem>>
      %dma_wait3A_151 = tpu.memref_squeeze %dma_wait3A_150 : memref<1x200xi32, #tpu.memory_space<vmem>> -> memref<200xi32, #tpu.memory_space<vmem>>
      %dma_wait3A_152 = arith.constant 0 : i32
      %dma_wait3A_153 = arith.constant 0 : i32
      %dma_wait3A_154 = tpu.memref_slice %arg3[%dma_wait3A_152, %dma_wait3A_153] : memref<100000x16xf32, #tpu.memory_space<hbm>> -> memref<100000x16xf32, #tpu.memory_space<hbm>>
      tpu.wait_indirect_dma semaphore(%arg9 : memref<!tpu.dma_semaphore, #tpu.memory_space<semaphore_mem>>) src(%dma_wait3A_154 : memref<100000x16xf32, #tpu.memory_space<hbm>>) dst(%dma_wait3A_148 : memref<200x16xf32, #tpu.memory_space<vmem>>)
      %add3A_155 = arith.constant 8 : i32
      %add3A_156 = arith.addi %add3A_143, %add3A_155 : i32
      %lt3A_157 = arith.constant 128 : i32
      %lt3A_158 = arith.cmpi slt, %add3A_156, %lt3A_157 : i32
      %convert_element_type3A_159 = arith.extui %lt3A_158 : i1 to i32
      %cond3A_160 = arith.constant 0 : i32
      %cond3A_161 = arith.cmpi ne, %convert_element_type3A_159, %cond3A_160 : i32
      scf.if %cond3A_161 {
        %add3A_407 = arith.constant 8 : i32
        %add3A_408 = arith.addi %add3A_143, %add3A_407 : i32
        %dma_start3A_409 = arith.constant 1 : i32
        %dma_start3A_410 = arith.constant 0 : i32
        %dma_start3A_411 = arith.constant 0 : i32
        %dma_start3A_412 = tpu.memref_slice %arg6[%dma_start3A_409, %dma_start3A_410, %dma_start3A_411] : memref<8x200x16xf32, #tpu.memory_space<vmem>> -> memref<1x200x16xf32, #tpu.memory_space<vmem>>
        %dma_start3A_413 = tpu.memref_squeeze %dma_start3A_412 : memref<1x200x16xf32, #tpu.memory_space<vmem>> -> memref<200x16xf32, #tpu.memory_space<vmem>>
        %dma_start3A_414 = arith.constant 0 : i32
        %dma_start3A_415 = tpu.memref_slice %arg5[%add3A_408, %dma_start3A_414] : memref<128x200xi32, #tpu.memory_space<vmem>> -> memref<1x200xi32, #tpu.memory_space<vmem>>
        %dma_start3A_416 = tpu.memref_squeeze %dma_start3A_415 : memref<1x200xi32, #tpu.memory_space<vmem>> -> memref<200xi32, #tpu.memory_space<vmem>>
        %dma_start3A_417 = arith.constant 0 : i32
        %dma_start3A_418 = arith.constant 0 : i32
        %dma_start3A_419 = tpu.memref_slice %arg3[%dma_start3A_417, %dma_start3A_418] : memref<100000x16xf32, #tpu.memory_space<hbm>> -> memref<100000x16xf32, #tpu.memory_space<hbm>>
        tpu.enqueue_indirect_dma source(%dma_start3A_419 : memref<100000x16xf32, #tpu.memory_space<hbm>>) target(%dma_start3A_413 : memref<200x16xf32, #tpu.memory_space<vmem>>) offsets(%dma_start3A_416 : memref<200xi32, #tpu.memory_space<vmem>>) semaphore(%arg9 : memref<!tpu.dma_semaphore, #tpu.memory_space<semaphore_mem>>)
      } else {
      }
      %broadcast_in_dim3A_162 = arith.constant 0.000000e+00 : f32
      %broadcast_in_dim3A_163 = vector.broadcast %broadcast_in_dim3A_162 : f32 to vector<16xf32>
      %scan3A_164 = arith.constant 0 : i32
      %scan3A_165 = arith.constant 50 : i32
      %scan3A_166 = arith.addi %scan3A_164, %scan3A_165 : i32
      %scan3A_167 = arith.constant 1 : i32
      %scan3A_168:4 = scf.for %scan3A_407 = %scan3A_164 to %scan3A_166 step %scan3A_167 iter_args(%scan3A_408 = %broadcast_in_dim3A_163, %scan3A_409 = %broadcast_in_dim3A_163, %scan3A_410 = %broadcast_in_dim3A_163, %scan3A_411 = %broadcast_in_dim3A_163) -> (vector<16xf32>, vector<16xf32>, vector<16xf32>, vector<16xf32>)  : i32 {
        %mul3A_412 = arith.constant 4 : i32
        %mul3A_413 = arith.muli %scan3A_407, %mul3A_412 : i32
        %get3A = arith.constant 1 : i32
        %get3A_414 = arith.index_cast %get3A : i32 to index
        %get3A_415 = arith.index_cast %mul3A_413 : i32 to index
        %get3A_416 = arith.constant 0 : index
        %get3A_417 = tpu.vector_load %arg6[%get3A_414, %get3A_415, %get3A_416] {strides = array<i32>} : memref<8x200x16xf32, #tpu.memory_space<vmem>>, vector<1x1x16xf32>,
        %get3A_418 = vector.shape_cast %get3A_417 : vector<1x1x16xf32> to vector<16xf32>
        %add3A_419 = arith.addf %scan3A_408, %get3A_418 : vector<16xf32>
        %add3A_420 = arith.constant 1 : i32
        %add3A_421 = arith.addi %mul3A_413, %add3A_420 : i32
        %get3A_422 = arith.constant 1 : i32
        %get3A_423 = arith.index_cast %get3A_422 : i32 to index
        %get3A_424 = arith.index_cast %add3A_421 : i32 to index
        %get3A_425 = arith.constant 0 : index
        %get3A_426 = tpu.vector_load %arg6[%get3A_423, %get3A_424, %get3A_425] {strides = array<i32>} : memref<8x200x16xf32, #tpu.memory_space<vmem>>, vector<1x1x16xf32>,
        %get3A_427 = vector.shape_cast %get3A_426 : vector<1x1x16xf32> to vector<16xf32>
        %add3A_428 = arith.addf %scan3A_409, %get3A_427 : vector<16xf32>
        %add3A_429 = arith.constant 2 : i32
        %add3A_430 = arith.addi %mul3A_413, %add3A_429 : i32
        %get3A_431 = arith.constant 1 : i32
        %get3A_432 = arith.index_cast %get3A_431 : i32 to index
        %get3A_433 = arith.index_cast %add3A_430 : i32 to index
        %get3A_434 = arith.constant 0 : index
        %get3A_435 = tpu.vector_load %arg6[%get3A_432, %get3A_433, %get3A_434] {strides = array<i32>} : memref<8x200x16xf32, #tpu.memory_space<vmem>>, vector<1x1x16xf32>,
        %get3A_436 = vector.shape_cast %get3A_435 : vector<1x1x16xf32> to vector<16xf32>
        %add3A_437 = arith.addf %scan3A_410, %get3A_436 : vector<16xf32>
        %add3A_438 = arith.constant 3 : i32
        %add3A_439 = arith.addi %mul3A_413, %add3A_438 : i32
        %get3A_440 = arith.constant 1 : i32
        %get3A_441 = arith.index_cast %get3A_440 : i32 to index
        %get3A_442 = arith.index_cast %add3A_439 : i32 to index
        %get3A_443 = arith.constant 0 : index
        %get3A_444 = tpu.vector_load %arg6[%get3A_441, %get3A_442, %get3A_443] {strides = array<i32>} : memref<8x200x16xf32, #tpu.memory_space<vmem>>, vector<1x1x16xf32>,
        %get3A_445 = vector.shape_cast %get3A_444 : vector<1x1x16xf32> to vector<16xf32>
        %add3A_446 = arith.addf %scan3A_411, %get3A_445 : vector<16xf32>
        scf.yield %add3A_419, %add3A_428, %add3A_437, %add3A_446 : vector<16xf32>, vector<16xf32>, vector<16xf32>, vector<16xf32>
      }
      %scan3A_169 = arith.constant 50 : i32
      %add3A_170 = arith.addf %scan3A_168#0, %scan3A_168#1 : vector<16xf32>
      %add3A_171 = arith.addf %scan3A_168#2, %scan3A_168#3 : vector<16xf32>
      %add3A_172 = arith.addf %add3A_170, %add3A_171 : vector<16xf32>
      %swap3A_173 = arith.index_cast %add3A_143 : i32 to index
      %swap3A_174 = arith.constant 0 : index
      %swap3A_175 = tpu.vector_load %arg7[%swap3A_173, %swap3A_174] {strides = array<i32>} : memref<128x16xf32, #tpu.memory_space<vmem>>, vector<1x16xf32>,
      %swap3A_176 = vector.shape_cast %swap3A_175 : vector<1x16xf32> to vector<16xf32>
      %swap3A_177 = vector.shape_cast %add3A_172 : vector<16xf32> to vector<1x16xf32>
      tpu.vector_store %arg7[%swap3A_173, %swap3A_174], %swap3A_177 {strides = array<i32>} : memref<128x16xf32, #tpu.memory_space<vmem>>, vector<1x16xf32>,
      %mul3A_178 = arith.constant 8 : i32
      %mul3A_179 = arith.muli %scan3A_106, %mul3A_178 : i32
      %add3A_180 = arith.constant 2 : i32
      %add3A_181 = arith.addi %mul3A_179, %add3A_180 : i32
      %dma_wait3A_182 = arith.constant 2 : i32
      %dma_wait3A_183 = arith.constant 0 : i32
      %dma_wait3A_184 = arith.constant 0 : i32
      %dma_wait3A_185 = tpu.memref_slice %arg6[%dma_wait3A_182, %dma_wait3A_183, %dma_wait3A_184] : memref<8x200x16xf32, #tpu.memory_space<vmem>> -> memref<1x200x16xf32, #tpu.memory_space<vmem>>
      %dma_wait3A_186 = tpu.memref_squeeze %dma_wait3A_185 : memref<1x200x16xf32, #tpu.memory_space<vmem>> -> memref<200x16xf32, #tpu.memory_space<vmem>>
      %dma_wait3A_187 = arith.constant 0 : i32
      %dma_wait3A_188 = tpu.memref_slice %arg5[%add3A_181, %dma_wait3A_187] : memref<128x200xi32, #tpu.memory_space<vmem>> -> memref<1x200xi32, #tpu.memory_space<vmem>>
      %dma_wait3A_189 = tpu.memref_squeeze %dma_wait3A_188 : memref<1x200xi32, #tpu.memory_space<vmem>> -> memref<200xi32, #tpu.memory_space<vmem>>
      %dma_wait3A_190 = arith.constant 0 : i32
      %dma_wait3A_191 = arith.constant 0 : i32
      %dma_wait3A_192 = tpu.memref_slice %arg3[%dma_wait3A_190, %dma_wait3A_191] : memref<100000x16xf32, #tpu.memory_space<hbm>> -> memref<100000x16xf32, #tpu.memory_space<hbm>>
      tpu.wait_indirect_dma semaphore(%arg10 : memref<!tpu.dma_semaphore, #tpu.memory_space<semaphore_mem>>) src(%dma_wait3A_192 : memref<100000x16xf32, #tpu.memory_space<hbm>>) dst(%dma_wait3A_186 : memref<200x16xf32, #tpu.memory_space<vmem>>)
      %add3A_193 = arith.constant 8 : i32
      %add3A_194 = arith.addi %add3A_181, %add3A_193 : i32
      %lt3A_195 = arith.constant 128 : i32
      %lt3A_196 = arith.cmpi slt, %add3A_194, %lt3A_195 : i32
      %convert_element_type3A_197 = arith.extui %lt3A_196 : i1 to i32
      %cond3A_198 = arith.constant 0 : i32
      %cond3A_199 = arith.cmpi ne, %convert_element_type3A_197, %cond3A_198 : i32
      scf.if %cond3A_199 {
        %add3A_407 = arith.constant 8 : i32
        %add3A_408 = arith.addi %add3A_181, %add3A_407 : i32
        %dma_start3A_409 = arith.constant 2 : i32
        %dma_start3A_410 = arith.constant 0 : i32
        %dma_start3A_411 = arith.constant 0 : i32
        %dma_start3A_412 = tpu.memref_slice %arg6[%dma_start3A_409, %dma_start3A_410, %dma_start3A_411] : memref<8x200x16xf32, #tpu.memory_space<vmem>> -> memref<1x200x16xf32, #tpu.memory_space<vmem>>
        %dma_start3A_413 = tpu.memref_squeeze %dma_start3A_412 : memref<1x200x16xf32, #tpu.memory_space<vmem>> -> memref<200x16xf32, #tpu.memory_space<vmem>>
        %dma_start3A_414 = arith.constant 0 : i32
        %dma_start3A_415 = tpu.memref_slice %arg5[%add3A_408, %dma_start3A_414] : memref<128x200xi32, #tpu.memory_space<vmem>> -> memref<1x200xi32, #tpu.memory_space<vmem>>
        %dma_start3A_416 = tpu.memref_squeeze %dma_start3A_415 : memref<1x200xi32, #tpu.memory_space<vmem>> -> memref<200xi32, #tpu.memory_space<vmem>>
        %dma_start3A_417 = arith.constant 0 : i32
        %dma_start3A_418 = arith.constant 0 : i32
        %dma_start3A_419 = tpu.memref_slice %arg3[%dma_start3A_417, %dma_start3A_418] : memref<100000x16xf32, #tpu.memory_space<hbm>> -> memref<100000x16xf32, #tpu.memory_space<hbm>>
        tpu.enqueue_indirect_dma source(%dma_start3A_419 : memref<100000x16xf32, #tpu.memory_space<hbm>>) target(%dma_start3A_413 : memref<200x16xf32, #tpu.memory_space<vmem>>) offsets(%dma_start3A_416 : memref<200xi32, #tpu.memory_space<vmem>>) semaphore(%arg10 : memref<!tpu.dma_semaphore, #tpu.memory_space<semaphore_mem>>)
      } else {
      }
      %broadcast_in_dim3A_200 = arith.constant 0.000000e+00 : f32
      %broadcast_in_dim3A_201 = vector.broadcast %broadcast_in_dim3A_200 : f32 to vector<16xf32>
      %scan3A_202 = arith.constant 0 : i32
      %scan3A_203 = arith.constant 50 : i32
      %scan3A_204 = arith.addi %scan3A_202, %scan3A_203 : i32
      %scan3A_205 = arith.constant 1 : i32
      %scan3A_206:4 = scf.for %scan3A_407 = %scan3A_202 to %scan3A_204 step %scan3A_205 iter_args(%scan3A_408 = %broadcast_in_dim3A_201, %scan3A_409 = %broadcast_in_dim3A_201, %scan3A_410 = %broadcast_in_dim3A_201, %scan3A_411 = %broadcast_in_dim3A_201) -> (vector<16xf32>, vector<16xf32>, vector<16xf32>, vector<16xf32>)  : i32 {
        %mul3A_412 = arith.constant 4 : i32
        %mul3A_413 = arith.muli %scan3A_407, %mul3A_412 : i32
        %get3A = arith.constant 2 : i32
        %get3A_414 = arith.index_cast %get3A : i32 to index
        %get3A_415 = arith.index_cast %mul3A_413 : i32 to index
        %get3A_416 = arith.constant 0 : index
        %get3A_417 = tpu.vector_load %arg6[%get3A_414, %get3A_415, %get3A_416] {strides = array<i32>} : memref<8x200x16xf32, #tpu.memory_space<vmem>>, vector<1x1x16xf32>,
        %get3A_418 = vector.shape_cast %get3A_417 : vector<1x1x16xf32> to vector<16xf32>
        %add3A_419 = arith.addf %scan3A_408, %get3A_418 : vector<16xf32>
        %add3A_420 = arith.constant 1 : i32
        %add3A_421 = arith.addi %mul3A_413, %add3A_420 : i32
        %get3A_422 = arith.constant 2 : i32
        %get3A_423 = arith.index_cast %get3A_422 : i32 to index
        %get3A_424 = arith.index_cast %add3A_421 : i32 to index
        %get3A_425 = arith.constant 0 : index
        %get3A_426 = tpu.vector_load %arg6[%get3A_423, %get3A_424, %get3A_425] {strides = array<i32>} : memref<8x200x16xf32, #tpu.memory_space<vmem>>, vector<1x1x16xf32>,
        %get3A_427 = vector.shape_cast %get3A_426 : vector<1x1x16xf32> to vector<16xf32>
        %add3A_428 = arith.addf %scan3A_409, %get3A_427 : vector<16xf32>
        %add3A_429 = arith.constant 2 : i32
        %add3A_430 = arith.addi %mul3A_413, %add3A_429 : i32
        %get3A_431 = arith.constant 2 : i32
        %get3A_432 = arith.index_cast %get3A_431 : i32 to index
        %get3A_433 = arith.index_cast %add3A_430 : i32 to index
        %get3A_434 = arith.constant 0 : index
        %get3A_435 = tpu.vector_load %arg6[%get3A_432, %get3A_433, %get3A_434] {strides = array<i32>} : memref<8x200x16xf32, #tpu.memory_space<vmem>>, vector<1x1x16xf32>,
        %get3A_436 = vector.shape_cast %get3A_435 : vector<1x1x16xf32> to vector<16xf32>
        %add3A_437 = arith.addf %scan3A_410, %get3A_436 : vector<16xf32>
        %add3A_438 = arith.constant 3 : i32
        %add3A_439 = arith.addi %mul3A_413, %add3A_438 : i32
        %get3A_440 = arith.constant 2 : i32
        %get3A_441 = arith.index_cast %get3A_440 : i32 to index
        %get3A_442 = arith.index_cast %add3A_439 : i32 to index
        %get3A_443 = arith.constant 0 : index
        %get3A_444 = tpu.vector_load %arg6[%get3A_441, %get3A_442, %get3A_443] {strides = array<i32>} : memref<8x200x16xf32, #tpu.memory_space<vmem>>, vector<1x1x16xf32>,
        %get3A_445 = vector.shape_cast %get3A_444 : vector<1x1x16xf32> to vector<16xf32>
        %add3A_446 = arith.addf %scan3A_411, %get3A_445 : vector<16xf32>
        scf.yield %add3A_419, %add3A_428, %add3A_437, %add3A_446 : vector<16xf32>, vector<16xf32>, vector<16xf32>, vector<16xf32>
      }
      %scan3A_207 = arith.constant 50 : i32
      %add3A_208 = arith.addf %scan3A_206#0, %scan3A_206#1 : vector<16xf32>
      %add3A_209 = arith.addf %scan3A_206#2, %scan3A_206#3 : vector<16xf32>
      %add3A_210 = arith.addf %add3A_208, %add3A_209 : vector<16xf32>
      %swap3A_211 = arith.index_cast %add3A_181 : i32 to index
      %swap3A_212 = arith.constant 0 : index
      %swap3A_213 = tpu.vector_load %arg7[%swap3A_211, %swap3A_212] {strides = array<i32>} : memref<128x16xf32, #tpu.memory_space<vmem>>, vector<1x16xf32>,
      %swap3A_214 = vector.shape_cast %swap3A_213 : vector<1x16xf32> to vector<16xf32>
      %swap3A_215 = vector.shape_cast %add3A_210 : vector<16xf32> to vector<1x16xf32>
      tpu.vector_store %arg7[%swap3A_211, %swap3A_212], %swap3A_215 {strides = array<i32>} : memref<128x16xf32, #tpu.memory_space<vmem>>, vector<1x16xf32>,
      %mul3A_216 = arith.constant 8 : i32
      %mul3A_217 = arith.muli %scan3A_106, %mul3A_216 : i32
      %add3A_218 = arith.constant 3 : i32
      %add3A_219 = arith.addi %mul3A_217, %add3A_218 : i32
      %dma_wait3A_220 = arith.constant 3 : i32
      %dma_wait3A_221 = arith.constant 0 : i32
      %dma_wait3A_222 = arith.constant 0 : i32
      %dma_wait3A_223 = tpu.memref_slice %arg6[%dma_wait3A_220, %dma_wait3A_221, %dma_wait3A_222] : memref<8x200x16xf32, #tpu.memory_space<vmem>> -> memref<1x200x16xf32, #tpu.memory_space<vmem>>
      %dma_wait3A_224 = tpu.memref_squeeze %dma_wait3A_223 : memref<1x200x16xf32, #tpu.memory_space<vmem>> -> memref<200x16xf32, #tpu.memory_space<vmem>>
      %dma_wait3A_225 = arith.constant 0 : i32
      %dma_wait3A_226 = tpu.memref_slice %arg5[%add3A_219, %dma_wait3A_225] : memref<128x200xi32, #tpu.memory_space<vmem>> -> memref<1x200xi32, #tpu.memory_space<vmem>>
      %dma_wait3A_227 = tpu.memref_squeeze %dma_wait3A_226 : memref<1x200xi32, #tpu.memory_space<vmem>> -> memref<200xi32, #tpu.memory_space<vmem>>
      %dma_wait3A_228 = arith.constant 0 : i32
      %dma_wait3A_229 = arith.constant 0 : i32
      %dma_wait3A_230 = tpu.memref_slice %arg3[%dma_wait3A_228, %dma_wait3A_229] : memref<100000x16xf32, #tpu.memory_space<hbm>> -> memref<100000x16xf32, #tpu.memory_space<hbm>>
      tpu.wait_indirect_dma semaphore(%arg11 : memref<!tpu.dma_semaphore, #tpu.memory_space<semaphore_mem>>) src(%dma_wait3A_230 : memref<100000x16xf32, #tpu.memory_space<hbm>>) dst(%dma_wait3A_224 : memref<200x16xf32, #tpu.memory_space<vmem>>)
      %add3A_231 = arith.constant 8 : i32
      %add3A_232 = arith.addi %add3A_219, %add3A_231 : i32
      %lt3A_233 = arith.constant 128 : i32
      %lt3A_234 = arith.cmpi slt, %add3A_232, %lt3A_233 : i32
      %convert_element_type3A_235 = arith.extui %lt3A_234 : i1 to i32
      %cond3A_236 = arith.constant 0 : i32
      %cond3A_237 = arith.cmpi ne, %convert_element_type3A_235, %cond3A_236 : i32
      scf.if %cond3A_237 {
        %add3A_407 = arith.constant 8 : i32
        %add3A_408 = arith.addi %add3A_219, %add3A_407 : i32
        %dma_start3A_409 = arith.constant 3 : i32
        %dma_start3A_410 = arith.constant 0 : i32
        %dma_start3A_411 = arith.constant 0 : i32
        %dma_start3A_412 = tpu.memref_slice %arg6[%dma_start3A_409, %dma_start3A_410, %dma_start3A_411] : memref<8x200x16xf32, #tpu.memory_space<vmem>> -> memref<1x200x16xf32, #tpu.memory_space<vmem>>
        %dma_start3A_413 = tpu.memref_squeeze %dma_start3A_412 : memref<1x200x16xf32, #tpu.memory_space<vmem>> -> memref<200x16xf32, #tpu.memory_space<vmem>>
        %dma_start3A_414 = arith.constant 0 : i32
        %dma_start3A_415 = tpu.memref_slice %arg5[%add3A_408, %dma_start3A_414] : memref<128x200xi32, #tpu.memory_space<vmem>> -> memref<1x200xi32, #tpu.memory_space<vmem>>
        %dma_start3A_416 = tpu.memref_squeeze %dma_start3A_415 : memref<1x200xi32, #tpu.memory_space<vmem>> -> memref<200xi32, #tpu.memory_space<vmem>>
        %dma_start3A_417 = arith.constant 0 : i32
        %dma_start3A_418 = arith.constant 0 : i32
        %dma_start3A_419 = tpu.memref_slice %arg3[%dma_start3A_417, %dma_start3A_418] : memref<100000x16xf32, #tpu.memory_space<hbm>> -> memref<100000x16xf32, #tpu.memory_space<hbm>>
        tpu.enqueue_indirect_dma source(%dma_start3A_419 : memref<100000x16xf32, #tpu.memory_space<hbm>>) target(%dma_start3A_413 : memref<200x16xf32, #tpu.memory_space<vmem>>) offsets(%dma_start3A_416 : memref<200xi32, #tpu.memory_space<vmem>>) semaphore(%arg11 : memref<!tpu.dma_semaphore, #tpu.memory_space<semaphore_mem>>)
      } else {
      }
      %broadcast_in_dim3A_238 = arith.constant 0.000000e+00 : f32
      %broadcast_in_dim3A_239 = vector.broadcast %broadcast_in_dim3A_238 : f32 to vector<16xf32>
      %scan3A_240 = arith.constant 0 : i32
      %scan3A_241 = arith.constant 50 : i32
      %scan3A_242 = arith.addi %scan3A_240, %scan3A_241 : i32
      %scan3A_243 = arith.constant 1 : i32
      %scan3A_244:4 = scf.for %scan3A_407 = %scan3A_240 to %scan3A_242 step %scan3A_243 iter_args(%scan3A_408 = %broadcast_in_dim3A_239, %scan3A_409 = %broadcast_in_dim3A_239, %scan3A_410 = %broadcast_in_dim3A_239, %scan3A_411 = %broadcast_in_dim3A_239) -> (vector<16xf32>, vector<16xf32>, vector<16xf32>, vector<16xf32>)  : i32 {
        %mul3A_412 = arith.constant 4 : i32
        %mul3A_413 = arith.muli %scan3A_407, %mul3A_412 : i32
        %get3A = arith.constant 3 : i32
        %get3A_414 = arith.index_cast %get3A : i32 to index
        %get3A_415 = arith.index_cast %mul3A_413 : i32 to index
        %get3A_416 = arith.constant 0 : index
        %get3A_417 = tpu.vector_load %arg6[%get3A_414, %get3A_415, %get3A_416] {strides = array<i32>} : memref<8x200x16xf32, #tpu.memory_space<vmem>>, vector<1x1x16xf32>,
        %get3A_418 = vector.shape_cast %get3A_417 : vector<1x1x16xf32> to vector<16xf32>
        %add3A_419 = arith.addf %scan3A_408, %get3A_418 : vector<16xf32>
        %add3A_420 = arith.constant 1 : i32
        %add3A_421 = arith.addi %mul3A_413, %add3A_420 : i32
        %get3A_422 = arith.constant 3 : i32
        %get3A_423 = arith.index_cast %get3A_422 : i32 to index
        %get3A_424 = arith.index_cast %add3A_421 : i32 to index
        %get3A_425 = arith.constant 0 : index
        %get3A_426 = tpu.vector_load %arg6[%get3A_423, %get3A_424, %get3A_425] {strides = array<i32>} : memref<8x200x16xf32, #tpu.memory_space<vmem>>, vector<1x1x16xf32>,
        %get3A_427 = vector.shape_cast %get3A_426 : vector<1x1x16xf32> to vector<16xf32>
        %add3A_428 = arith.addf %scan3A_409, %get3A_427 : vector<16xf32>
        %add3A_429 = arith.constant 2 : i32
        %add3A_430 = arith.addi %mul3A_413, %add3A_429 : i32
        %get3A_431 = arith.constant 3 : i32
        %get3A_432 = arith.index_cast %get3A_431 : i32 to index
        %get3A_433 = arith.index_cast %add3A_430 : i32 to index
        %get3A_434 = arith.constant 0 : index
        %get3A_435 = tpu.vector_load %arg6[%get3A_432, %get3A_433, %get3A_434] {strides = array<i32>} : memref<8x200x16xf32, #tpu.memory_space<vmem>>, vector<1x1x16xf32>,
        %get3A_436 = vector.shape_cast %get3A_435 : vector<1x1x16xf32> to vector<16xf32>
        %add3A_437 = arith.addf %scan3A_410, %get3A_436 : vector<16xf32>
        %add3A_438 = arith.constant 3 : i32
        %add3A_439 = arith.addi %mul3A_413, %add3A_438 : i32
        %get3A_440 = arith.constant 3 : i32
        %get3A_441 = arith.index_cast %get3A_440 : i32 to index
        %get3A_442 = arith.index_cast %add3A_439 : i32 to index
        %get3A_443 = arith.constant 0 : index
        %get3A_444 = tpu.vector_load %arg6[%get3A_441, %get3A_442, %get3A_443] {strides = array<i32>} : memref<8x200x16xf32, #tpu.memory_space<vmem>>, vector<1x1x16xf32>,
        %get3A_445 = vector.shape_cast %get3A_444 : vector<1x1x16xf32> to vector<16xf32>
        %add3A_446 = arith.addf %scan3A_411, %get3A_445 : vector<16xf32>
        scf.yield %add3A_419, %add3A_428, %add3A_437, %add3A_446 : vector<16xf32>, vector<16xf32>, vector<16xf32>, vector<16xf32>
      }
      %scan3A_245 = arith.constant 50 : i32
      %add3A_246 = arith.addf %scan3A_244#0, %scan3A_244#1 : vector<16xf32>
      %add3A_247 = arith.addf %scan3A_244#2, %scan3A_244#3 : vector<16xf32>
      %add3A_248 = arith.addf %add3A_246, %add3A_247 : vector<16xf32>
      %swap3A_249 = arith.index_cast %add3A_219 : i32 to index
      %swap3A_250 = arith.constant 0 : index
      %swap3A_251 = tpu.vector_load %arg7[%swap3A_249, %swap3A_250] {strides = array<i32>} : memref<128x16xf32, #tpu.memory_space<vmem>>, vector<1x16xf32>,
      %swap3A_252 = vector.shape_cast %swap3A_251 : vector<1x16xf32> to vector<16xf32>
      %swap3A_253 = vector.shape_cast %add3A_248 : vector<16xf32> to vector<1x16xf32>
      tpu.vector_store %arg7[%swap3A_249, %swap3A_250], %swap3A_253 {strides = array<i32>} : memref<128x16xf32, #tpu.memory_space<vmem>>, vector<1x16xf32>,
      %mul3A_254 = arith.constant 8 : i32
      %mul3A_255 = arith.muli %scan3A_106, %mul3A_254 : i32
      %add3A_256 = arith.constant 4 : i32
      %add3A_257 = arith.addi %mul3A_255, %add3A_256 : i32
      %dma_wait3A_258 = arith.constant 4 : i32
      %dma_wait3A_259 = arith.constant 0 : i32
      %dma_wait3A_260 = arith.constant 0 : i32
      %dma_wait3A_261 = tpu.memref_slice %arg6[%dma_wait3A_258, %dma_wait3A_259, %dma_wait3A_260] : memref<8x200x16xf32, #tpu.memory_space<vmem>> -> memref<1x200x16xf32, #tpu.memory_space<vmem>>
      %dma_wait3A_262 = tpu.memref_squeeze %dma_wait3A_261 : memref<1x200x16xf32, #tpu.memory_space<vmem>> -> memref<200x16xf32, #tpu.memory_space<vmem>>
      %dma_wait3A_263 = arith.constant 0 : i32
      %dma_wait3A_264 = tpu.memref_slice %arg5[%add3A_257, %dma_wait3A_263] : memref<128x200xi32, #tpu.memory_space<vmem>> -> memref<1x200xi32, #tpu.memory_space<vmem>>
      %dma_wait3A_265 = tpu.memref_squeeze %dma_wait3A_264 : memref<1x200xi32, #tpu.memory_space<vmem>> -> memref<200xi32, #tpu.memory_space<vmem>>
      %dma_wait3A_266 = arith.constant 0 : i32
      %dma_wait3A_267 = arith.constant 0 : i32
      %dma_wait3A_268 = tpu.memref_slice %arg3[%dma_wait3A_266, %dma_wait3A_267] : memref<100000x16xf32, #tpu.memory_space<hbm>> -> memref<100000x16xf32, #tpu.memory_space<hbm>>
      tpu.wait_indirect_dma semaphore(%arg12 : memref<!tpu.dma_semaphore, #tpu.memory_space<semaphore_mem>>) src(%dma_wait3A_268 : memref<100000x16xf32, #tpu.memory_space<hbm>>) dst(%dma_wait3A_262 : memref<200x16xf32, #tpu.memory_space<vmem>>)
      %add3A_269 = arith.constant 8 : i32
      %add3A_270 = arith.addi %add3A_257, %add3A_269 : i32
      %lt3A_271 = arith.constant 128 : i32
      %lt3A_272 = arith.cmpi slt, %add3A_270, %lt3A_271 : i32
      %convert_element_type3A_273 = arith.extui %lt3A_272 : i1 to i32
      %cond3A_274 = arith.constant 0 : i32
      %cond3A_275 = arith.cmpi ne, %convert_element_type3A_273, %cond3A_274 : i32
      scf.if %cond3A_275 {
        %add3A_407 = arith.constant 8 : i32
        %add3A_408 = arith.addi %add3A_257, %add3A_407 : i32
        %dma_start3A_409 = arith.constant 4 : i32
        %dma_start3A_410 = arith.constant 0 : i32
        %dma_start3A_411 = arith.constant 0 : i32
        %dma_start3A_412 = tpu.memref_slice %arg6[%dma_start3A_409, %dma_start3A_410, %dma_start3A_411] : memref<8x200x16xf32, #tpu.memory_space<vmem>> -> memref<1x200x16xf32, #tpu.memory_space<vmem>>
        %dma_start3A_413 = tpu.memref_squeeze %dma_start3A_412 : memref<1x200x16xf32, #tpu.memory_space<vmem>> -> memref<200x16xf32, #tpu.memory_space<vmem>>
        %dma_start3A_414 = arith.constant 0 : i32
        %dma_start3A_415 = tpu.memref_slice %arg5[%add3A_408, %dma_start3A_414] : memref<128x200xi32, #tpu.memory_space<vmem>> -> memref<1x200xi32, #tpu.memory_space<vmem>>
        %dma_start3A_416 = tpu.memref_squeeze %dma_start3A_415 : memref<1x200xi32, #tpu.memory_space<vmem>> -> memref<200xi32, #tpu.memory_space<vmem>>
        %dma_start3A_417 = arith.constant 0 : i32
        %dma_start3A_418 = arith.constant 0 : i32
        %dma_start3A_419 = tpu.memref_slice %arg3[%dma_start3A_417, %dma_start3A_418] : memref<100000x16xf32, #tpu.memory_space<hbm>> -> memref<100000x16xf32, #tpu.memory_space<hbm>>
        tpu.enqueue_indirect_dma source(%dma_start3A_419 : memref<100000x16xf32, #tpu.memory_space<hbm>>) target(%dma_start3A_413 : memref<200x16xf32, #tpu.memory_space<vmem>>) offsets(%dma_start3A_416 : memref<200xi32, #tpu.memory_space<vmem>>) semaphore(%arg12 : memref<!tpu.dma_semaphore, #tpu.memory_space<semaphore_mem>>)
      } else {
      }
      %broadcast_in_dim3A_276 = arith.constant 0.000000e+00 : f32
      %broadcast_in_dim3A_277 = vector.broadcast %broadcast_in_dim3A_276 : f32 to vector<16xf32>
      %scan3A_278 = arith.constant 0 : i32
      %scan3A_279 = arith.constant 50 : i32
      %scan3A_280 = arith.addi %scan3A_278, %scan3A_279 : i32
      %scan3A_281 = arith.constant 1 : i32
      %scan3A_282:4 = scf.for %scan3A_407 = %scan3A_278 to %scan3A_280 step %scan3A_281 iter_args(%scan3A_408 = %broadcast_in_dim3A_277, %scan3A_409 = %broadcast_in_dim3A_277, %scan3A_410 = %broadcast_in_dim3A_277, %scan3A_411 = %broadcast_in_dim3A_277) -> (vector<16xf32>, vector<16xf32>, vector<16xf32>, vector<16xf32>)  : i32 {
        %mul3A_412 = arith.constant 4 : i32
        %mul3A_413 = arith.muli %scan3A_407, %mul3A_412 : i32
        %get3A = arith.constant 4 : i32
        %get3A_414 = arith.index_cast %get3A : i32 to index
        %get3A_415 = arith.index_cast %mul3A_413 : i32 to index
        %get3A_416 = arith.constant 0 : index
        %get3A_417 = tpu.vector_load %arg6[%get3A_414, %get3A_415, %get3A_416] {strides = array<i32>} : memref<8x200x16xf32, #tpu.memory_space<vmem>>, vector<1x1x16xf32>,
        %get3A_418 = vector.shape_cast %get3A_417 : vector<1x1x16xf32> to vector<16xf32>
        %add3A_419 = arith.addf %scan3A_408, %get3A_418 : vector<16xf32>
        %add3A_420 = arith.constant 1 : i32
        %add3A_421 = arith.addi %mul3A_413, %add3A_420 : i32
        %get3A_422 = arith.constant 4 : i32
        %get3A_423 = arith.index_cast %get3A_422 : i32 to index
        %get3A_424 = arith.index_cast %add3A_421 : i32 to index
        %get3A_425 = arith.constant 0 : index
        %get3A_426 = tpu.vector_load %arg6[%get3A_423, %get3A_424, %get3A_425] {strides = array<i32>} : memref<8x200x16xf32, #tpu.memory_space<vmem>>, vector<1x1x16xf32>,
        %get3A_427 = vector.shape_cast %get3A_426 : vector<1x1x16xf32> to vector<16xf32>
        %add3A_428 = arith.addf %scan3A_409, %get3A_427 : vector<16xf32>
        %add3A_429 = arith.constant 2 : i32
        %add3A_430 = arith.addi %mul3A_413, %add3A_429 : i32
        %get3A_431 = arith.constant 4 : i32
        %get3A_432 = arith.index_cast %get3A_431 : i32 to index
        %get3A_433 = arith.index_cast %add3A_430 : i32 to index
        %get3A_434 = arith.constant 0 : index
        %get3A_435 = tpu.vector_load %arg6[%get3A_432, %get3A_433, %get3A_434] {strides = array<i32>} : memref<8x200x16xf32, #tpu.memory_space<vmem>>, vector<1x1x16xf32>,
        %get3A_436 = vector.shape_cast %get3A_435 : vector<1x1x16xf32> to vector<16xf32>
        %add3A_437 = arith.addf %scan3A_410, %get3A_436 : vector<16xf32>
        %add3A_438 = arith.constant 3 : i32
        %add3A_439 = arith.addi %mul3A_413, %add3A_438 : i32
        %get3A_440 = arith.constant 4 : i32
        %get3A_441 = arith.index_cast %get3A_440 : i32 to index
        %get3A_442 = arith.index_cast %add3A_439 : i32 to index
        %get3A_443 = arith.constant 0 : index
        %get3A_444 = tpu.vector_load %arg6[%get3A_441, %get3A_442, %get3A_443] {strides = array<i32>} : memref<8x200x16xf32, #tpu.memory_space<vmem>>, vector<1x1x16xf32>,
        %get3A_445 = vector.shape_cast %get3A_444 : vector<1x1x16xf32> to vector<16xf32>
        %add3A_446 = arith.addf %scan3A_411, %get3A_445 : vector<16xf32>
        scf.yield %add3A_419, %add3A_428, %add3A_437, %add3A_446 : vector<16xf32>, vector<16xf32>, vector<16xf32>, vector<16xf32>
      }
      %scan3A_283 = arith.constant 50 : i32
      %add3A_284 = arith.addf %scan3A_282#0, %scan3A_282#1 : vector<16xf32>
      %add3A_285 = arith.addf %scan3A_282#2, %scan3A_282#3 : vector<16xf32>
      %add3A_286 = arith.addf %add3A_284, %add3A_285 : vector<16xf32>
      %swap3A_287 = arith.index_cast %add3A_257 : i32 to index
      %swap3A_288 = arith.constant 0 : index
      %swap3A_289 = tpu.vector_load %arg7[%swap3A_287, %swap3A_288] {strides = array<i32>} : memref<128x16xf32, #tpu.memory_space<vmem>>, vector<1x16xf32>,
      %swap3A_290 = vector.shape_cast %swap3A_289 : vector<1x16xf32> to vector<16xf32>
      %swap3A_291 = vector.shape_cast %add3A_286 : vector<16xf32> to vector<1x16xf32>
      tpu.vector_store %arg7[%swap3A_287, %swap3A_288], %swap3A_291 {strides = array<i32>} : memref<128x16xf32, #tpu.memory_space<vmem>>, vector<1x16xf32>,
      %mul3A_292 = arith.constant 8 : i32
      %mul3A_293 = arith.muli %scan3A_106, %mul3A_292 : i32
      %add3A_294 = arith.constant 5 : i32
      %add3A_295 = arith.addi %mul3A_293, %add3A_294 : i32
      %dma_wait3A_296 = arith.constant 5 : i32
      %dma_wait3A_297 = arith.constant 0 : i32
      %dma_wait3A_298 = arith.constant 0 : i32
      %dma_wait3A_299 = tpu.memref_slice %arg6[%dma_wait3A_296, %dma_wait3A_297, %dma_wait3A_298] : memref<8x200x16xf32, #tpu.memory_space<vmem>> -> memref<1x200x16xf32, #tpu.memory_space<vmem>>
      %dma_wait3A_300 = tpu.memref_squeeze %dma_wait3A_299 : memref<1x200x16xf32, #tpu.memory_space<vmem>> -> memref<200x16xf32, #tpu.memory_space<vmem>>
      %dma_wait3A_301 = arith.constant 0 : i32
      %dma_wait3A_302 = tpu.memref_slice %arg5[%add3A_295, %dma_wait3A_301] : memref<128x200xi32, #tpu.memory_space<vmem>> -> memref<1x200xi32, #tpu.memory_space<vmem>>
      %dma_wait3A_303 = tpu.memref_squeeze %dma_wait3A_302 : memref<1x200xi32, #tpu.memory_space<vmem>> -> memref<200xi32, #tpu.memory_space<vmem>>
      %dma_wait3A_304 = arith.constant 0 : i32
      %dma_wait3A_305 = arith.constant 0 : i32
      %dma_wait3A_306 = tpu.memref_slice %arg3[%dma_wait3A_304, %dma_wait3A_305] : memref<100000x16xf32, #tpu.memory_space<hbm>> -> memref<100000x16xf32, #tpu.memory_space<hbm>>
      tpu.wait_indirect_dma semaphore(%arg13 : memref<!tpu.dma_semaphore, #tpu.memory_space<semaphore_mem>>) src(%dma_wait3A_306 : memref<100000x16xf32, #tpu.memory_space<hbm>>) dst(%dma_wait3A_300 : memref<200x16xf32, #tpu.memory_space<vmem>>)
      %add3A_307 = arith.constant 8 : i32
      %add3A_308 = arith.addi %add3A_295, %add3A_307 : i32
      %lt3A_309 = arith.constant 128 : i32
      %lt3A_310 = arith.cmpi slt, %add3A_308, %lt3A_309 : i32
      %convert_element_type3A_311 = arith.extui %lt3A_310 : i1 to i32
      %cond3A_312 = arith.constant 0 : i32
      %cond3A_313 = arith.cmpi ne, %convert_element_type3A_311, %cond3A_312 : i32
      scf.if %cond3A_313 {
        %add3A_407 = arith.constant 8 : i32
        %add3A_408 = arith.addi %add3A_295, %add3A_407 : i32
        %dma_start3A_409 = arith.constant 5 : i32
        %dma_start3A_410 = arith.constant 0 : i32
        %dma_start3A_411 = arith.constant 0 : i32
        %dma_start3A_412 = tpu.memref_slice %arg6[%dma_start3A_409, %dma_start3A_410, %dma_start3A_411] : memref<8x200x16xf32, #tpu.memory_space<vmem>> -> memref<1x200x16xf32, #tpu.memory_space<vmem>>
        %dma_start3A_413 = tpu.memref_squeeze %dma_start3A_412 : memref<1x200x16xf32, #tpu.memory_space<vmem>> -> memref<200x16xf32, #tpu.memory_space<vmem>>
        %dma_start3A_414 = arith.constant 0 : i32
        %dma_start3A_415 = tpu.memref_slice %arg5[%add3A_408, %dma_start3A_414] : memref<128x200xi32, #tpu.memory_space<vmem>> -> memref<1x200xi32, #tpu.memory_space<vmem>>
        %dma_start3A_416 = tpu.memref_squeeze %dma_start3A_415 : memref<1x200xi32, #tpu.memory_space<vmem>> -> memref<200xi32, #tpu.memory_space<vmem>>
        %dma_start3A_417 = arith.constant 0 : i32
        %dma_start3A_418 = arith.constant 0 : i32
        %dma_start3A_419 = tpu.memref_slice %arg3[%dma_start3A_417, %dma_start3A_418] : memref<100000x16xf32, #tpu.memory_space<hbm>> -> memref<100000x16xf32, #tpu.memory_space<hbm>>
        tpu.enqueue_indirect_dma source(%dma_start3A_419 : memref<100000x16xf32, #tpu.memory_space<hbm>>) target(%dma_start3A_413 : memref<200x16xf32, #tpu.memory_space<vmem>>) offsets(%dma_start3A_416 : memref<200xi32, #tpu.memory_space<vmem>>) semaphore(%arg13 : memref<!tpu.dma_semaphore, #tpu.memory_space<semaphore_mem>>)
      } else {
      }
      %broadcast_in_dim3A_314 = arith.constant 0.000000e+00 : f32
      %broadcast_in_dim3A_315 = vector.broadcast %broadcast_in_dim3A_314 : f32 to vector<16xf32>
      %scan3A_316 = arith.constant 0 : i32
      %scan3A_317 = arith.constant 50 : i32
      %scan3A_318 = arith.addi %scan3A_316, %scan3A_317 : i32
      %scan3A_319 = arith.constant 1 : i32
      %scan3A_320:4 = scf.for %scan3A_407 = %scan3A_316 to %scan3A_318 step %scan3A_319 iter_args(%scan3A_408 = %broadcast_in_dim3A_315, %scan3A_409 = %broadcast_in_dim3A_315, %scan3A_410 = %broadcast_in_dim3A_315, %scan3A_411 = %broadcast_in_dim3A_315) -> (vector<16xf32>, vector<16xf32>, vector<16xf32>, vector<16xf32>)  : i32 {
        %mul3A_412 = arith.constant 4 : i32
        %mul3A_413 = arith.muli %scan3A_407, %mul3A_412 : i32
        %get3A = arith.constant 5 : i32
        %get3A_414 = arith.index_cast %get3A : i32 to index
        %get3A_415 = arith.index_cast %mul3A_413 : i32 to index
        %get3A_416 = arith.constant 0 : index
        %get3A_417 = tpu.vector_load %arg6[%get3A_414, %get3A_415, %get3A_416] {strides = array<i32>} : memref<8x200x16xf32, #tpu.memory_space<vmem>>, vector<1x1x16xf32>,
        %get3A_418 = vector.shape_cast %get3A_417 : vector<1x1x16xf32> to vector<16xf32>
        %add3A_419 = arith.addf %scan3A_408, %get3A_418 : vector<16xf32>
        %add3A_420 = arith.constant 1 : i32
        %add3A_421 = arith.addi %mul3A_413, %add3A_420 : i32
        %get3A_422 = arith.constant 5 : i32
        %get3A_423 = arith.index_cast %get3A_422 : i32 to index
        %get3A_424 = arith.index_cast %add3A_421 : i32 to index
        %get3A_425 = arith.constant 0 : index
        %get3A_426 = tpu.vector_load %arg6[%get3A_423, %get3A_424, %get3A_425] {strides = array<i32>} : memref<8x200x16xf32, #tpu.memory_space<vmem>>, vector<1x1x16xf32>,
        %get3A_427 = vector.shape_cast %get3A_426 : vector<1x1x16xf32> to vector<16xf32>
        %add3A_428 = arith.addf %scan3A_409, %get3A_427 : vector<16xf32>
        %add3A_429 = arith.constant 2 : i32
        %add3A_430 = arith.addi %mul3A_413, %add3A_429 : i32
        %get3A_431 = arith.constant 5 : i32
        %get3A_432 = arith.index_cast %get3A_431 : i32 to index
        %get3A_433 = arith.index_cast %add3A_430 : i32 to index
        %get3A_434 = arith.constant 0 : index
        %get3A_435 = tpu.vector_load %arg6[%get3A_432, %get3A_433, %get3A_434] {strides = array<i32>} : memref<8x200x16xf32, #tpu.memory_space<vmem>>, vector<1x1x16xf32>,
        %get3A_436 = vector.shape_cast %get3A_435 : vector<1x1x16xf32> to vector<16xf32>
        %add3A_437 = arith.addf %scan3A_410, %get3A_436 : vector<16xf32>
        %add3A_438 = arith.constant 3 : i32
        %add3A_439 = arith.addi %mul3A_413, %add3A_438 : i32
        %get3A_440 = arith.constant 5 : i32
        %get3A_441 = arith.index_cast %get3A_440 : i32 to index
        %get3A_442 = arith.index_cast %add3A_439 : i32 to index
        %get3A_443 = arith.constant 0 : index
        %get3A_444 = tpu.vector_load %arg6[%get3A_441, %get3A_442, %get3A_443] {strides = array<i32>} : memref<8x200x16xf32, #tpu.memory_space<vmem>>, vector<1x1x16xf32>,
        %get3A_445 = vector.shape_cast %get3A_444 : vector<1x1x16xf32> to vector<16xf32>
        %add3A_446 = arith.addf %scan3A_411, %get3A_445 : vector<16xf32>
        scf.yield %add3A_419, %add3A_428, %add3A_437, %add3A_446 : vector<16xf32>, vector<16xf32>, vector<16xf32>, vector<16xf32>
      }
      %scan3A_321 = arith.constant 50 : i32
      %add3A_322 = arith.addf %scan3A_320#0, %scan3A_320#1 : vector<16xf32>
      %add3A_323 = arith.addf %scan3A_320#2, %scan3A_320#3 : vector<16xf32>
      %add3A_324 = arith.addf %add3A_322, %add3A_323 : vector<16xf32>
      %swap3A_325 = arith.index_cast %add3A_295 : i32 to index
      %swap3A_326 = arith.constant 0 : index
      %swap3A_327 = tpu.vector_load %arg7[%swap3A_325, %swap3A_326] {strides = array<i32>} : memref<128x16xf32, #tpu.memory_space<vmem>>, vector<1x16xf32>,
      %swap3A_328 = vector.shape_cast %swap3A_327 : vector<1x16xf32> to vector<16xf32>
      %swap3A_329 = vector.shape_cast %add3A_324 : vector<16xf32> to vector<1x16xf32>
      tpu.vector_store %arg7[%swap3A_325, %swap3A_326], %swap3A_329 {strides = array<i32>} : memref<128x16xf32, #tpu.memory_space<vmem>>, vector<1x16xf32>,
      %mul3A_330 = arith.constant 8 : i32
      %mul3A_331 = arith.muli %scan3A_106, %mul3A_330 : i32
      %add3A_332 = arith.constant 6 : i32
      %add3A_333 = arith.addi %mul3A_331, %add3A_332 : i32
      %dma_wait3A_334 = arith.constant 6 : i32
      %dma_wait3A_335 = arith.constant 0 : i32
      %dma_wait3A_336 = arith.constant 0 : i32
      %dma_wait3A_337 = tpu.memref_slice %arg6[%dma_wait3A_334, %dma_wait3A_335, %dma_wait3A_336] : memref<8x200x16xf32, #tpu.memory_space<vmem>> -> memref<1x200x16xf32, #tpu.memory_space<vmem>>
      %dma_wait3A_338 = tpu.memref_squeeze %dma_wait3A_337 : memref<1x200x16xf32, #tpu.memory_space<vmem>> -> memref<200x16xf32, #tpu.memory_space<vmem>>
      %dma_wait3A_339 = arith.constant 0 : i32
      %dma_wait3A_340 = tpu.memref_slice %arg5[%add3A_333, %dma_wait3A_339] : memref<128x200xi32, #tpu.memory_space<vmem>> -> memref<1x200xi32, #tpu.memory_space<vmem>>
      %dma_wait3A_341 = tpu.memref_squeeze %dma_wait3A_340 : memref<1x200xi32, #tpu.memory_space<vmem>> -> memref<200xi32, #tpu.memory_space<vmem>>
      %dma_wait3A_342 = arith.constant 0 : i32
      %dma_wait3A_343 = arith.constant 0 : i32
      %dma_wait3A_344 = tpu.memref_slice %arg3[%dma_wait3A_342, %dma_wait3A_343] : memref<100000x16xf32, #tpu.memory_space<hbm>> -> memref<100000x16xf32, #tpu.memory_space<hbm>>
      tpu.wait_indirect_dma semaphore(%arg14 : memref<!tpu.dma_semaphore, #tpu.memory_space<semaphore_mem>>) src(%dma_wait3A_344 : memref<100000x16xf32, #tpu.memory_space<hbm>>) dst(%dma_wait3A_338 : memref<200x16xf32, #tpu.memory_space<vmem>>)
      %add3A_345 = arith.constant 8 : i32
      %add3A_346 = arith.addi %add3A_333, %add3A_345 : i32
      %lt3A_347 = arith.constant 128 : i32
      %lt3A_348 = arith.cmpi slt, %add3A_346, %lt3A_347 : i32
      %convert_element_type3A_349 = arith.extui %lt3A_348 : i1 to i32
      %cond3A_350 = arith.constant 0 : i32
      %cond3A_351 = arith.cmpi ne, %convert_element_type3A_349, %cond3A_350 : i32
      scf.if %cond3A_351 {
        %add3A_407 = arith.constant 8 : i32
        %add3A_408 = arith.addi %add3A_333, %add3A_407 : i32
        %dma_start3A_409 = arith.constant 6 : i32
        %dma_start3A_410 = arith.constant 0 : i32
        %dma_start3A_411 = arith.constant 0 : i32
        %dma_start3A_412 = tpu.memref_slice %arg6[%dma_start3A_409, %dma_start3A_410, %dma_start3A_411] : memref<8x200x16xf32, #tpu.memory_space<vmem>> -> memref<1x200x16xf32, #tpu.memory_space<vmem>>
        %dma_start3A_413 = tpu.memref_squeeze %dma_start3A_412 : memref<1x200x16xf32, #tpu.memory_space<vmem>> -> memref<200x16xf32, #tpu.memory_space<vmem>>
        %dma_start3A_414 = arith.constant 0 : i32
        %dma_start3A_415 = tpu.memref_slice %arg5[%add3A_408, %dma_start3A_414] : memref<128x200xi32, #tpu.memory_space<vmem>> -> memref<1x200xi32, #tpu.memory_space<vmem>>
        %dma_start3A_416 = tpu.memref_squeeze %dma_start3A_415 : memref<1x200xi32, #tpu.memory_space<vmem>> -> memref<200xi32, #tpu.memory_space<vmem>>
        %dma_start3A_417 = arith.constant 0 : i32
        %dma_start3A_418 = arith.constant 0 : i32
        %dma_start3A_419 = tpu.memref_slice %arg3[%dma_start3A_417, %dma_start3A_418] : memref<100000x16xf32, #tpu.memory_space<hbm>> -> memref<100000x16xf32, #tpu.memory_space<hbm>>
        tpu.enqueue_indirect_dma source(%dma_start3A_419 : memref<100000x16xf32, #tpu.memory_space<hbm>>) target(%dma_start3A_413 : memref<200x16xf32, #tpu.memory_space<vmem>>) offsets(%dma_start3A_416 : memref<200xi32, #tpu.memory_space<vmem>>) semaphore(%arg14 : memref<!tpu.dma_semaphore, #tpu.memory_space<semaphore_mem>>)
      } else {
      }
      %broadcast_in_dim3A_352 = arith.constant 0.000000e+00 : f32
      %broadcast_in_dim3A_353 = vector.broadcast %broadcast_in_dim3A_352 : f32 to vector<16xf32>
      %scan3A_354 = arith.constant 0 : i32
      %scan3A_355 = arith.constant 50 : i32
      %scan3A_356 = arith.addi %scan3A_354, %scan3A_355 : i32
      %scan3A_357 = arith.constant 1 : i32
      %scan3A_358:4 = scf.for %scan3A_407 = %scan3A_354 to %scan3A_356 step %scan3A_357 iter_args(%scan3A_408 = %broadcast_in_dim3A_353, %scan3A_409 = %broadcast_in_dim3A_353, %scan3A_410 = %broadcast_in_dim3A_353, %scan3A_411 = %broadcast_in_dim3A_353) -> (vector<16xf32>, vector<16xf32>, vector<16xf32>, vector<16xf32>)  : i32 {
        %mul3A_412 = arith.constant 4 : i32
        %mul3A_413 = arith.muli %scan3A_407, %mul3A_412 : i32
        %get3A = arith.constant 6 : i32
        %get3A_414 = arith.index_cast %get3A : i32 to index
        %get3A_415 = arith.index_cast %mul3A_413 : i32 to index
        %get3A_416 = arith.constant 0 : index
        %get3A_417 = tpu.vector_load %arg6[%get3A_414, %get3A_415, %get3A_416] {strides = array<i32>} : memref<8x200x16xf32, #tpu.memory_space<vmem>>, vector<1x1x16xf32>,
        %get3A_418 = vector.shape_cast %get3A_417 : vector<1x1x16xf32> to vector<16xf32>
        %add3A_419 = arith.addf %scan3A_408, %get3A_418 : vector<16xf32>
        %add3A_420 = arith.constant 1 : i32
        %add3A_421 = arith.addi %mul3A_413, %add3A_420 : i32
        %get3A_422 = arith.constant 6 : i32
        %get3A_423 = arith.index_cast %get3A_422 : i32 to index
        %get3A_424 = arith.index_cast %add3A_421 : i32 to index
        %get3A_425 = arith.constant 0 : index
        %get3A_426 = tpu.vector_load %arg6[%get3A_423, %get3A_424, %get3A_425] {strides = array<i32>} : memref<8x200x16xf32, #tpu.memory_space<vmem>>, vector<1x1x16xf32>,
        %get3A_427 = vector.shape_cast %get3A_426 : vector<1x1x16xf32> to vector<16xf32>
        %add3A_428 = arith.addf %scan3A_409, %get3A_427 : vector<16xf32>
        %add3A_429 = arith.constant 2 : i32
        %add3A_430 = arith.addi %mul3A_413, %add3A_429 : i32
        %get3A_431 = arith.constant 6 : i32
        %get3A_432 = arith.index_cast %get3A_431 : i32 to index
        %get3A_433 = arith.index_cast %add3A_430 : i32 to index
        %get3A_434 = arith.constant 0 : index
        %get3A_435 = tpu.vector_load %arg6[%get3A_432, %get3A_433, %get3A_434] {strides = array<i32>} : memref<8x200x16xf32, #tpu.memory_space<vmem>>, vector<1x1x16xf32>,
        %get3A_436 = vector.shape_cast %get3A_435 : vector<1x1x16xf32> to vector<16xf32>
        %add3A_437 = arith.addf %scan3A_410, %get3A_436 : vector<16xf32>
        %add3A_438 = arith.constant 3 : i32
        %add3A_439 = arith.addi %mul3A_413, %add3A_438 : i32
        %get3A_440 = arith.constant 6 : i32
        %get3A_441 = arith.index_cast %get3A_440 : i32 to index
        %get3A_442 = arith.index_cast %add3A_439 : i32 to index
        %get3A_443 = arith.constant 0 : index
        %get3A_444 = tpu.vector_load %arg6[%get3A_441, %get3A_442, %get3A_443] {strides = array<i32>} : memref<8x200x16xf32, #tpu.memory_space<vmem>>, vector<1x1x16xf32>,
        %get3A_445 = vector.shape_cast %get3A_444 : vector<1x1x16xf32> to vector<16xf32>
        %add3A_446 = arith.addf %scan3A_411, %get3A_445 : vector<16xf32>
        scf.yield %add3A_419, %add3A_428, %add3A_437, %add3A_446 : vector<16xf32>, vector<16xf32>, vector<16xf32>, vector<16xf32>
      }
      %scan3A_359 = arith.constant 50 : i32
      %add3A_360 = arith.addf %scan3A_358#0, %scan3A_358#1 : vector<16xf32>
      %add3A_361 = arith.addf %scan3A_358#2, %scan3A_358#3 : vector<16xf32>
      %add3A_362 = arith.addf %add3A_360, %add3A_361 : vector<16xf32>
      %swap3A_363 = arith.index_cast %add3A_333 : i32 to index
      %swap3A_364 = arith.constant 0 : index
      %swap3A_365 = tpu.vector_load %arg7[%swap3A_363, %swap3A_364] {strides = array<i32>} : memref<128x16xf32, #tpu.memory_space<vmem>>, vector<1x16xf32>,
      %swap3A_366 = vector.shape_cast %swap3A_365 : vector<1x16xf32> to vector<16xf32>
      %swap3A_367 = vector.shape_cast %add3A_362 : vector<16xf32> to vector<1x16xf32>
      tpu.vector_store %arg7[%swap3A_363, %swap3A_364], %swap3A_367 {strides = array<i32>} : memref<128x16xf32, #tpu.memory_space<vmem>>, vector<1x16xf32>,
      %mul3A_368 = arith.constant 8 : i32
      %mul3A_369 = arith.muli %scan3A_106, %mul3A_368 : i32
      %add3A_370 = arith.constant 7 : i32
      %add3A_371 = arith.addi %mul3A_369, %add3A_370 : i32
      %dma_wait3A_372 = arith.constant 7 : i32
      %dma_wait3A_373 = arith.constant 0 : i32
      %dma_wait3A_374 = arith.constant 0 : i32
      %dma_wait3A_375 = tpu.memref_slice %arg6[%dma_wait3A_372, %dma_wait3A_373, %dma_wait3A_374] : memref<8x200x16xf32, #tpu.memory_space<vmem>> -> memref<1x200x16xf32, #tpu.memory_space<vmem>>
      %dma_wait3A_376 = tpu.memref_squeeze %dma_wait3A_375 : memref<1x200x16xf32, #tpu.memory_space<vmem>> -> memref<200x16xf32, #tpu.memory_space<vmem>>
      %dma_wait3A_377 = arith.constant 0 : i32
      %dma_wait3A_378 = tpu.memref_slice %arg5[%add3A_371, %dma_wait3A_377] : memref<128x200xi32, #tpu.memory_space<vmem>> -> memref<1x200xi32, #tpu.memory_space<vmem>>
      %dma_wait3A_379 = tpu.memref_squeeze %dma_wait3A_378 : memref<1x200xi32, #tpu.memory_space<vmem>> -> memref<200xi32, #tpu.memory_space<vmem>>
      %dma_wait3A_380 = arith.constant 0 : i32
      %dma_wait3A_381 = arith.constant 0 : i32
      %dma_wait3A_382 = tpu.memref_slice %arg3[%dma_wait3A_380, %dma_wait3A_381] : memref<100000x16xf32, #tpu.memory_space<hbm>> -> memref<100000x16xf32, #tpu.memory_space<hbm>>
      tpu.wait_indirect_dma semaphore(%arg15 : memref<!tpu.dma_semaphore, #tpu.memory_space<semaphore_mem>>) src(%dma_wait3A_382 : memref<100000x16xf32, #tpu.memory_space<hbm>>) dst(%dma_wait3A_376 : memref<200x16xf32, #tpu.memory_space<vmem>>)
      %add3A_383 = arith.constant 8 : i32
      %add3A_384 = arith.addi %add3A_371, %add3A_383 : i32
      %lt3A_385 = arith.constant 128 : i32
      %lt3A_386 = arith.cmpi slt, %add3A_384, %lt3A_385 : i32
      %convert_element_type3A_387 = arith.extui %lt3A_386 : i1 to i32
      %cond3A_388 = arith.constant 0 : i32
      %cond3A_389 = arith.cmpi ne, %convert_element_type3A_387, %cond3A_388 : i32
      scf.if %cond3A_389 {
        %add3A_407 = arith.constant 8 : i32
        %add3A_408 = arith.addi %add3A_371, %add3A_407 : i32
        %dma_start3A_409 = arith.constant 7 : i32
        %dma_start3A_410 = arith.constant 0 : i32
        %dma_start3A_411 = arith.constant 0 : i32
        %dma_start3A_412 = tpu.memref_slice %arg6[%dma_start3A_409, %dma_start3A_410, %dma_start3A_411] : memref<8x200x16xf32, #tpu.memory_space<vmem>> -> memref<1x200x16xf32, #tpu.memory_space<vmem>>
        %dma_start3A_413 = tpu.memref_squeeze %dma_start3A_412 : memref<1x200x16xf32, #tpu.memory_space<vmem>> -> memref<200x16xf32, #tpu.memory_space<vmem>>
        %dma_start3A_414 = arith.constant 0 : i32
        %dma_start3A_415 = tpu.memref_slice %arg5[%add3A_408, %dma_start3A_414] : memref<128x200xi32, #tpu.memory_space<vmem>> -> memref<1x200xi32, #tpu.memory_space<vmem>>
        %dma_start3A_416 = tpu.memref_squeeze %dma_start3A_415 : memref<1x200xi32, #tpu.memory_space<vmem>> -> memref<200xi32, #tpu.memory_space<vmem>>
        %dma_start3A_417 = arith.constant 0 : i32
        %dma_start3A_418 = arith.constant 0 : i32
        %dma_start3A_419 = tpu.memref_slice %arg3[%dma_start3A_417, %dma_start3A_418] : memref<100000x16xf32, #tpu.memory_space<hbm>> -> memref<100000x16xf32, #tpu.memory_space<hbm>>
        tpu.enqueue_indirect_dma source(%dma_start3A_419 : memref<100000x16xf32, #tpu.memory_space<hbm>>) target(%dma_start3A_413 : memref<200x16xf32, #tpu.memory_space<vmem>>) offsets(%dma_start3A_416 : memref<200xi32, #tpu.memory_space<vmem>>) semaphore(%arg15 : memref<!tpu.dma_semaphore, #tpu.memory_space<semaphore_mem>>)
      } else {
      }
      %broadcast_in_dim3A_390 = arith.constant 0.000000e+00 : f32
      %broadcast_in_dim3A_391 = vector.broadcast %broadcast_in_dim3A_390 : f32 to vector<16xf32>
      %scan3A_392 = arith.constant 0 : i32
      %scan3A_393 = arith.constant 50 : i32
      %scan3A_394 = arith.addi %scan3A_392, %scan3A_393 : i32
      %scan3A_395 = arith.constant 1 : i32
      %scan3A_396:4 = scf.for %scan3A_407 = %scan3A_392 to %scan3A_394 step %scan3A_395 iter_args(%scan3A_408 = %broadcast_in_dim3A_391, %scan3A_409 = %broadcast_in_dim3A_391, %scan3A_410 = %broadcast_in_dim3A_391, %scan3A_411 = %broadcast_in_dim3A_391) -> (vector<16xf32>, vector<16xf32>, vector<16xf32>, vector<16xf32>)  : i32 {
        %mul3A_412 = arith.constant 4 : i32
        %mul3A_413 = arith.muli %scan3A_407, %mul3A_412 : i32
        %get3A = arith.constant 7 : i32
        %get3A_414 = arith.index_cast %get3A : i32 to index
        %get3A_415 = arith.index_cast %mul3A_413 : i32 to index
        %get3A_416 = arith.constant 0 : index
        %get3A_417 = tpu.vector_load %arg6[%get3A_414, %get3A_415, %get3A_416] {strides = array<i32>} : memref<8x200x16xf32, #tpu.memory_space<vmem>>, vector<1x1x16xf32>,
        %get3A_418 = vector.shape_cast %get3A_417 : vector<1x1x16xf32> to vector<16xf32>
        %add3A_419 = arith.addf %scan3A_408, %get3A_418 : vector<16xf32>
        %add3A_420 = arith.constant 1 : i32
        %add3A_421 = arith.addi %mul3A_413, %add3A_420 : i32
        %get3A_422 = arith.constant 7 : i32
        %get3A_423 = arith.index_cast %get3A_422 : i32 to index
        %get3A_424 = arith.index_cast %add3A_421 : i32 to index
        %get3A_425 = arith.constant 0 : index
        %get3A_426 = tpu.vector_load %arg6[%get3A_423, %get3A_424, %get3A_425] {strides = array<i32>} : memref<8x200x16xf32, #tpu.memory_space<vmem>>, vector<1x1x16xf32>,
        %get3A_427 = vector.shape_cast %get3A_426 : vector<1x1x16xf32> to vector<16xf32>
        %add3A_428 = arith.addf %scan3A_409, %get3A_427 : vector<16xf32>
        %add3A_429 = arith.constant 2 : i32
        %add3A_430 = arith.addi %mul3A_413, %add3A_429 : i32
        %get3A_431 = arith.constant 7 : i32
        %get3A_432 = arith.index_cast %get3A_431 : i32 to index
        %get3A_433 = arith.index_cast %add3A_430 : i32 to index
        %get3A_434 = arith.constant 0 : index
        %get3A_435 = tpu.vector_load %arg6[%get3A_432, %get3A_433, %get3A_434] {strides = array<i32>} : memref<8x200x16xf32, #tpu.memory_space<vmem>>, vector<1x1x16xf32>,
        %get3A_436 = vector.shape_cast %get3A_435 : vector<1x1x16xf32> to vector<16xf32>
        %add3A_437 = arith.addf %scan3A_410, %get3A_436 : vector<16xf32>
        %add3A_438 = arith.constant 3 : i32
        %add3A_439 = arith.addi %mul3A_413, %add3A_438 : i32
        %get3A_440 = arith.constant 7 : i32
        %get3A_441 = arith.index_cast %get3A_440 : i32 to index
        %get3A_442 = arith.index_cast %add3A_439 : i32 to index
        %get3A_443 = arith.constant 0 : index
        %get3A_444 = tpu.vector_load %arg6[%get3A_441, %get3A_442, %get3A_443] {strides = array<i32>} : memref<8x200x16xf32, #tpu.memory_space<vmem>>, vector<1x1x16xf32>,
        %get3A_445 = vector.shape_cast %get3A_444 : vector<1x1x16xf32> to vector<16xf32>
        %add3A_446 = arith.addf %scan3A_411, %get3A_445 : vector<16xf32>
        scf.yield %add3A_419, %add3A_428, %add3A_437, %add3A_446 : vector<16xf32>, vector<16xf32>, vector<16xf32>, vector<16xf32>
      }
      %scan3A_397 = arith.constant 50 : i32
      %add3A_398 = arith.addf %scan3A_396#0, %scan3A_396#1 : vector<16xf32>
      %add3A_399 = arith.addf %scan3A_396#2, %scan3A_396#3 : vector<16xf32>
      %add3A_400 = arith.addf %add3A_398, %add3A_399 : vector<16xf32>
      %swap3A_401 = arith.index_cast %add3A_371 : i32 to index
      %swap3A_402 = arith.constant 0 : index
      %swap3A_403 = tpu.vector_load %arg7[%swap3A_401, %swap3A_402] {strides = array<i32>} : memref<128x16xf32, #tpu.memory_space<vmem>>, vector<1x16xf32>,
      %swap3A_404 = vector.shape_cast %swap3A_403 : vector<1x16xf32> to vector<16xf32>
      %swap3A_405 = vector.shape_cast %add3A_400 : vector<16xf32> to vector<1x16xf32>
      tpu.vector_store %arg7[%swap3A_401, %swap3A_402], %swap3A_405 {strides = array<i32>} : memref<128x16xf32, #tpu.memory_space<vmem>>, vector<1x16xf32>,
      %scan3A_406 = arith.constant 0 : i32
      scf.yield %scan3A_406 : i32
    }
    %scan3A_103 = arith.constant 16 : i32
    %mul3A_104 = arith.constant 128 : i32
    %mul3A_105 = arith.muli %add3A, %mul3A_104 : i32
    "tpu.region"() ({
      %run_scoped3A = tpu.sem_alloc : memref<!tpu.dma_semaphore, #tpu.memory_space<semaphore_mem>>
      %dma_start3A_106 = arith.constant 0 : i32
      %dma_start3A_107 = tpu.memref_slice %arg4[%mul3A_105, %dma_start3A_106] : memref<4096x16xf32, #tpu.memory_space<hbm>> -> memref<128x16xf32, #tpu.memory_space<hbm>>
      %dma_start3A_108 = arith.constant 0 : i32
      %dma_start3A_109 = tpu.memref_slice %arg4[%mul3A_105, %dma_start3A_108] : memref<4096x16xf32, #tpu.memory_space<hbm>> -> memref<128x16xf32, #tpu.memory_space<hbm>>
      tpu.enqueue_dma source(%arg7 : memref<128x16xf32, #tpu.memory_space<vmem>>) target(%dma_start3A_109 : memref<128x16xf32, #tpu.memory_space<hbm>>) target_semaphore(%run_scoped3A : memref<!tpu.dma_semaphore, #tpu.memory_space<semaphore_mem>>)
      %dma_wait3A = arith.constant 0 : i32
      %dma_wait3A_110 = tpu.memref_slice %arg4[%mul3A_105, %dma_wait3A] : memref<4096x16xf32, #tpu.memory_space<hbm>> -> memref<128x16xf32, #tpu.memory_space<hbm>>
      %dma_wait3A_111 = arith.constant 0 : i32
      %dma_wait3A_112 = tpu.memref_slice %arg4[%mul3A_105, %dma_wait3A_111] : memref<4096x16xf32, #tpu.memory_space<hbm>> -> memref<128x16xf32, #tpu.memory_space<hbm>>
      tpu.wait_dma2 semaphore(%run_scoped3A : memref<!tpu.dma_semaphore, #tpu.memory_space<semaphore_mem>>) src(%arg7 : memref<128x16xf32, #tpu.memory_space<vmem>>) dst(%dma_wait3A_112 : memref<128x16xf32, #tpu.memory_space<hbm>>)
      tpu.yield
    }) : () -> ()
    return
  }
}

module attributes {stable_mosaic.version = 14 : i64} {
  func.func @_proj_kernel(%arg0: i32, %arg1: memref<16x50xf32, #tpu.memory_space<vmem>>, %arg2: memref<50x12800xf32, #tpu.memory_space<vmem>>, %arg3: memref<16x1xf32, #tpu.memory_space<vmem>>, %arg4: memref<1600x128xf32, #tpu.memory_space<vmem>>, %arg5: memref<12800x16xf32, #tpu.memory_space<vmem>>) attributes {dimension_semantics = [#tpu.dimension_semantics<arbitrary>], iteration_bounds = array<i64: 8>, scalar_prefetch = 0 : i64, scratch_operands = 1 : i64, tpu.core_type = #tpu.core_type<tc>, window_params = [{pipeline_mode = #tpu.pipeline_mode<synchronous>, transform_indices = @transform_0, window_bounds = array<i64: 16, 50>}, {transform_indices = @transform_1, window_bounds = array<i64: 50, 12800>}, {pipeline_mode = #tpu.pipeline_mode<synchronous>, transform_indices = @transform_2, window_bounds = array<i64: 16, 1>}, {transform_indices = @transform_3, window_bounds = array<i64: 1600, 128>}]} {
    %get3A = arith.constant 0 : index
    %get3A_0 = arith.constant 0 : index
    %get3A_1 = vector.load %arg1[%get3A, %get3A_0] : memref<16x50xf32, #tpu.memory_space<vmem>>, vector<16x50xf32>
    %get3A_2 = arith.constant 0 : index
    %get3A_3 = arith.constant 0 : index
    %get3A_4 = vector.load %arg2[%get3A_2, %get3A_3] : memref<50x12800xf32, #tpu.memory_space<vmem>>, vector<50x12800xf32>
    %dot_general3A = arith.constant dense<0.000000e+00> : vector<16x12800xf32>
    %dot_general3A_5 = tpu.matmul %get3A_1, %get3A_4, %dot_general3A {dimension_numbers = #tpu.dot_dimension_numbers<[1], [0], [0], [1], [0, 0, 1, 1], [], []>, precision = #tpu.contract_precision<fp32>, transpose_lhs_hint = false} : vector<16x50xf32>, vector<50x12800xf32>, vector<16x12800xf32> -> vector<16x12800xf32>
    %get3A_6 = arith.constant 0 : index
    %get3A_7 = arith.constant 0 : index
    %get3A_8 = vector.load %arg3[%get3A_6, %get3A_7] : memref<16x1xf32, #tpu.memory_space<vmem>>, vector<16x1xf32>
    %add3A = vector.broadcast %get3A_8 : vector<16x1xf32> to vector<16x12800xf32>
    %add3A_9 = arith.addf %dot_general3A_5, %add3A : vector<16x12800xf32>
    %transpose3A = tpu.transpose %add3A_9, [1, 0] : vector<16x12800xf32> -> vector<12800x16xf32>
    %swap3A = arith.constant 0 : index
    %swap3A_10 = arith.constant 0 : index
    %swap3A_11 = vector.load %arg5[%swap3A, %swap3A_10] : memref<12800x16xf32, #tpu.memory_space<vmem>>, vector<12800x16xf32>
    tpu.vector_store %arg5[%swap3A, %swap3A_10], %transpose3A {strides = array<i32>} : memref<12800x16xf32, #tpu.memory_space<vmem>>, vector<12800x16xf32>,
    %get3A_12 = arith.constant 0 : index
    %get3A_13 = arith.constant 0 : index
    %get3A_14 = tpu.strided_load %arg5[%get3A_12, %get3A_13] {strides = array<i32: 8, 1>} : memref<12800x16xf32, #tpu.memory_space<vmem>>, vector<1600x16xf32>
    %swap3A_15 = arith.constant 0 : index
    %swap3A_16 = arith.constant 0 : index
    %swap3A_17 = vector.load %arg4[%swap3A_15, %swap3A_16] : memref<1600x128xf32, #tpu.memory_space<vmem>>, vector<1600x16xf32>
    tpu.vector_store %arg4[%swap3A_15, %swap3A_16], %get3A_14 {strides = array<i32>} : memref<1600x128xf32, #tpu.memory_space<vmem>>, vector<1600x16xf32>,
    %get3A_18 = arith.constant 1 : index
    %get3A_19 = arith.constant 0 : index
    %get3A_20 = tpu.strided_load %arg5[%get3A_18, %get3A_19] {strides = array<i32: 8, 1>} : memref<12800x16xf32, #tpu.memory_space<vmem>>, vector<1600x16xf32>
    %swap3A_21 = arith.constant 0 : index
    %swap3A_22 = arith.constant 16 : index
    %swap3A_23 = vector.load %arg4[%swap3A_21, %swap3A_22] : memref<1600x128xf32, #tpu.memory_space<vmem>>, vector<1600x16xf32>
    tpu.vector_store %arg4[%swap3A_21, %swap3A_22], %get3A_20 {strides = array<i32>} : memref<1600x128xf32, #tpu.memory_space<vmem>>, vector<1600x16xf32>,
    %get3A_24 = arith.constant 2 : index
    %get3A_25 = arith.constant 0 : index
    %get3A_26 = tpu.strided_load %arg5[%get3A_24, %get3A_25] {strides = array<i32: 8, 1>} : memref<12800x16xf32, #tpu.memory_space<vmem>>, vector<1600x16xf32>
    %swap3A_27 = arith.constant 0 : index
    %swap3A_28 = arith.constant 32 : index
    %swap3A_29 = vector.load %arg4[%swap3A_27, %swap3A_28] : memref<1600x128xf32, #tpu.memory_space<vmem>>, vector<1600x16xf32>
    tpu.vector_store %arg4[%swap3A_27, %swap3A_28], %get3A_26 {strides = array<i32>} : memref<1600x128xf32, #tpu.memory_space<vmem>>, vector<1600x16xf32>,
    %get3A_30 = arith.constant 3 : index
    %get3A_31 = arith.constant 0 : index
    %get3A_32 = tpu.strided_load %arg5[%get3A_30, %get3A_31] {strides = array<i32: 8, 1>} : memref<12800x16xf32, #tpu.memory_space<vmem>>, vector<1600x16xf32>
    %swap3A_33 = arith.constant 0 : index
    %swap3A_34 = arith.constant 48 : index
    %swap3A_35 = vector.load %arg4[%swap3A_33, %swap3A_34] : memref<1600x128xf32, #tpu.memory_space<vmem>>, vector<1600x16xf32>
    tpu.vector_store %arg4[%swap3A_33, %swap3A_34], %get3A_32 {strides = array<i32>} : memref<1600x128xf32, #tpu.memory_space<vmem>>, vector<1600x16xf32>,
    %get3A_36 = arith.constant 4 : index
    %get3A_37 = arith.constant 0 : index
    %get3A_38 = tpu.strided_load %arg5[%get3A_36, %get3A_37] {strides = array<i32: 8, 1>} : memref<12800x16xf32, #tpu.memory_space<vmem>>, vector<1600x16xf32>
    %swap3A_39 = arith.constant 0 : index
    %swap3A_40 = arith.constant 64 : index
    %swap3A_41 = vector.load %arg4[%swap3A_39, %swap3A_40] : memref<1600x128xf32, #tpu.memory_space<vmem>>, vector<1600x16xf32>
    tpu.vector_store %arg4[%swap3A_39, %swap3A_40], %get3A_38 {strides = array<i32>} : memref<1600x128xf32, #tpu.memory_space<vmem>>, vector<1600x16xf32>,
    %get3A_42 = arith.constant 5 : index
    %get3A_43 = arith.constant 0 : index
    %get3A_44 = tpu.strided_load %arg5[%get3A_42, %get3A_43] {strides = array<i32: 8, 1>} : memref<12800x16xf32, #tpu.memory_space<vmem>>, vector<1600x16xf32>
    %swap3A_45 = arith.constant 0 : index
    %swap3A_46 = arith.constant 80 : index
    %swap3A_47 = vector.load %arg4[%swap3A_45, %swap3A_46] : memref<1600x128xf32, #tpu.memory_space<vmem>>, vector<1600x16xf32>
    tpu.vector_store %arg4[%swap3A_45, %swap3A_46], %get3A_44 {strides = array<i32>} : memref<1600x128xf32, #tpu.memory_space<vmem>>, vector<1600x16xf32>,
    %get3A_48 = arith.constant 6 : index
    %get3A_49 = arith.constant 0 : index
    %get3A_50 = tpu.strided_load %arg5[%get3A_48, %get3A_49] {strides = array<i32: 8, 1>} : memref<12800x16xf32, #tpu.memory_space<vmem>>, vector<1600x16xf32>
    %swap3A_51 = arith.constant 0 : index
    %swap3A_52 = arith.constant 96 : index
    %swap3A_53 = vector.load %arg4[%swap3A_51, %swap3A_52] : memref<1600x128xf32, #tpu.memory_space<vmem>>, vector<1600x16xf32>
    tpu.vector_store %arg4[%swap3A_51, %swap3A_52], %get3A_50 {strides = array<i32>} : memref<1600x128xf32, #tpu.memory_space<vmem>>, vector<1600x16xf32>,
    %get3A_54 = arith.constant 7 : index
    %get3A_55 = arith.constant 0 : index
    %get3A_56 = tpu.strided_load %arg5[%get3A_54, %get3A_55] {strides = array<i32: 8, 1>} : memref<12800x16xf32, #tpu.memory_space<vmem>>, vector<1600x16xf32>
    %swap3A_57 = arith.constant 0 : index
    %swap3A_58 = arith.constant 112 : index
    %swap3A_59 = vector.load %arg4[%swap3A_57, %swap3A_58] : memref<1600x128xf32, #tpu.memory_space<vmem>>, vector<1600x16xf32>
    tpu.vector_store %arg4[%swap3A_57, %swap3A_58], %get3A_56 {strides = array<i32>} : memref<1600x128xf32, #tpu.memory_space<vmem>>, vector<1600x16xf32>,
    return
  }
  func.func @transform_0(%arg0: i32) -> (i32, i32) {
    %c0_i32 = arith.constant 0 : i32
    %c0_i32_0 = arith.constant 0 : i32
    %c0_i32_1 = arith.constant 0 : i32
    return %c0_i32, %c0_i32_0 : i32, i32
  }
  func.func @transform_1(%arg0: i32) -> (i32, i32) {
    %c0_i32 = arith.constant 0 : i32
    %c0_i32_0 = arith.constant 0 : i32
    return %c0_i32, %arg0 : i32, i32
  }
  func.func @transform_2(%arg0: i32) -> (i32, i32) {
    %c0_i32 = arith.constant 0 : i32
    %c0_i32_0 = arith.constant 0 : i32
    %c0_i32_1 = arith.constant 0 : i32
    return %c0_i32, %c0_i32_0 : i32, i32
  }
  func.func @transform_3(%arg0: i32) -> (i32, i32) {
    %c0_i32 = arith.constant 0 : i32
    %c0_i32_0 = arith.constant 0 : i32
    return %arg0, %c0_i32 : i32, i32
  }
}

</mosaic_0001>

<sc_bundles>
// kernel: kernel.4.cloned.1.call-start
scs
__scs_entry_jumppad:
0x0: {  	(pc) =	sbr.rel $0x88, $3  }
0x1: {  	(tag) =	ssettag $0x0;
	lr =	simm.s32 $0x1  }
0x2: {  	[smem:$0x3F9D] =	sst lr;
	_ =	strace $0xD0000000  }
0x3: {  	_ = 	snop  }
0x4: {  	_ = 	snop  }
0x5: {  	_ = 	snop  }
0x6: {  	_ = 	snop  }
0x7: {  	_ = 	snop  }
__scs_overlays_trampoline_lowered:
0x8: {  	[smem:$0x3FAC] =	sst s0  }
0x9: {  	[smem:$0x3FAD] =	sst s1  }
0xa: {  	[smem:$0x3FAE] =	sst s2  }
0xb: {  	[smem:$0x3FAF] =	sst s3  }
0xc: {  	[smem:$0x3FB0] =	sst s4  }
0xd: {  	[smem:$0x3FB1] =	sst s5  }
0xe: {  	[smem:$0x3FB2] =	sst s6  }
0xf: {  	[smem:$0x3FB3] =	sst s7  }
0x10: {  	[smem:$0x3FB4] =	sst s8  }
0x11: {  	[smem:$0x3FB5] =	sst s9;
	s0 =	simm.s32 @!p0 $0x0  }
0x12: {  	s1 =	sld [smem:$0x3F9B];
	s0 =	simm.s32 @p0 $0x1  }
0x13: {  	[smem:$0x3FB6] =	sst s0;
	s0 =	simm.s32 @!p1 $0x0  }
0x14: {  	s2 =	sld [smem:$0x3F9A];
	s0 =	simm.s32 @p1 $0x1  }
0x15: {  	[smem:$0x3FB7] =	sst s0;
	s0 =	simm.s32 @!p2 $0x0  }
0x16: {  	s3 =	sld [smem:$0x3FDB];
	s0 =	simm.s32 @p2 $0x1  }
0x17: {  	s4 =	simm.s32 $0x1BF5;
	[smem:$0x3FB9] =	sst s0  }
0x18: {  	s0 =	sld [smem:$0x3F9C];
	_ =	swait.ge [sflag:s4], $0x0  }
0x19: {  	s7 =	sld [smem:$0x3F9D]  }
0x1a: {  	s8 =	sadd.s32 $0xFFFFE003, lr  }
0x1b: {  	s9 =	sadd.s32 $0xFFFFFEF7, lr;
	s5 =	simm.s32 $0xFFFFFFFF;
	p2 =	slt.u32 s8, $0xFFFFF086  }
0x1c: {  	p1 =	slt.u32 s9, $0xF7A;
	s5 =	simm.s32 @!p2 $0x0  }
0x1d: {  	s5 =	simm.s32 @p1 $0x1;
	p0 =	seq.s32 s7, s2  }
0x1e: {  	s7 =	smul.u32 @!p0 $0xF7A, s2;
	p2 =	seq.s32 @!p0 s5, $0x0  }
0x1f: {  	s9 =	smul.u32 $0xF7A, s1;
	s8 =	simm.s32 @!p0 $0x1BF5;
	p2 =	por !p2, p0  }
0x20: {  	[sflag:s8] =	ssyncset.s32 @!p0 $0xFFFFF086;
	s6 =	sadd.s32 @!p0 s3, s7;
	s7 =	simm.s32 @!p0 $0x108  }
0x21: {  	s3 =	sadd.s32 s3, s9;
	s6 =	sadd.s32 @!p0 $0x88, s6;
	s7 =	simm.s32 @p2 $0x1082  }
0x22: {  	[simem:s7], [sflag:s8] =	dma.local @!p0 [hbm:s6], $0xF7A  }
0x23: {  	s9 =	sor.u32 $0xD0000000, s2;
	s6 =	simm.s32 $0x108;
	_ =	swait.ge @!p0 [sflag:s8], $0x0  }
0x24: {  	s3 =	sadd.s32 $0x88, s3;
	s6 =	simm.s32 @!p1 $0x1082;
	[sflag:s4] =	ssyncset.s32 $0xFFFFF086  }
0x25: {  	[simem:s6], [sflag:s4] =	dma.local [hbm:s3], $0xF7A  }
0x26: {  	[smem:$0x3F9D] =	sst s1;
	(tag) =	ssettag s2;
	_ =	strace s9  }
0x27: {  	s1 =	sld [smem:$0x3FAD]  }
0x28: {  	s2 =	sld [smem:$0x3FAE]  }
0x29: {  	s4 =	sld [smem:$0x3FB0]  }
0x2a: {  	p0 =	seq.s32 s5, $0x0;
	s5 =	sld [smem:$0x3FB1]  }
0x2b: {  	s6 =	sld [smem:$0x3FB2]  }
0x2c: {  	s7 =	sld [smem:$0x3FB3]  }
0x2d: {  	s3 =	simm.s32 $0x108;
	s8 =	sld [smem:$0x3FB4]  }
0x2e: {  	s3 =	simm.s32 @!p0 $0x1082;
	s9 =	sld [smem:$0x3FB5]  }
0x2f: {  	lr =	sadd.s32 s0, s3;
	s0 =	sld [smem:$0x3FAC]  }
0x30: {  	s3 =	sld [smem:$0x3FAF]  }
0x31: {  	[smem:$0x3FB8] =	sst s10  }
0x32: {  	s10 =	sld [smem:$0x3FB6];
	_ =	sdelay $0x3  }
0x33: {  	p0 =	seq.s32 s10, $0x1;
	s10 =	sld [smem:$0x3FB8];
	_ =	sdelay $0x3  }
0x34: {  	[smem:$0x3FB8] =	sst s10  }
0x35: {  	s10 =	sld [smem:$0x3FB7];
	_ =	sdelay $0x3  }
0x36: {  	p1 =	seq.s32 s10, $0x1;
	s10 =	sld [smem:$0x3FB8];
	_ =	sdelay $0x3  }
0x37: {  	[smem:$0x3FB8] =	sst s10  }
0x38: {  	s10 =	sld [smem:$0x3FB9]  }
0x39: {  	_ = 	snop;
	(pc) =	sbr.ind lr, $3  }
0x3a: {  	_ = 	snop  }
0x3b: {  	_ = 	snop  }
0x3c: {  	p2 =	seq.s32 s10, $0x1;
	s10 =	sld [smem:$0x3FB8]  }
0x3d: {  	_ =	shalt  }
0x3e: {  	_ =	shalt  }
0x3f: {  	_ =	shalt  }
0x40: {  	_ =	shalt  }
0x41: {  	_ =	shalt  }
0x42: {  	_ =	shalt  }
0x43: {  	_ =	shalt  }
0x44: {  	_ =	shalt  }
0x45: {  	_ =	shalt  }
0x46: {  	_ =	shalt  }
0x47: {  	_ =	shalt  }
0x48: {  	_ =	shalt  }
0x49: {  	_ =	shalt  }
0x4a: {  	_ =	shalt  }
0x4b: {  	_ =	shalt  }
0x4c: {  	_ =	shalt  }
0x4d: {  	_ =	shalt  }
0x4e: {  	_ =	shalt  }
0x4f: {  	_ =	shalt  }
0x50: {  	_ =	shalt  }
0x51: {  	_ =	shalt  }
0x52: {  	_ =	shalt  }
0x53: {  	_ =	shalt  }
0x54: {  	_ =	shalt  }
0x55: {  	_ =	shalt  }
0x56: {  	_ =	shalt  }
0x57: {  	_ =	shalt  }
0x58: {  	_ =	shalt  }
0x59: {  	_ =	shalt  }
0x5a: {  	_ =	shalt  }
0x5b: {  	_ =	shalt  }
0x5c: {  	_ =	shalt  }
0x5d: {  	_ =	shalt  }
0x5e: {  	_ =	shalt  }
0x5f: {  	_ =	shalt  }
0x60: {  	_ =	shalt  }
0x61: {  	_ =	shalt  }
0x62: {  	_ =	shalt  }
0x63: {  	_ =	shalt  }
0x64: {  	_ =	shalt  }
0x65: {  	_ =	shalt  }
0x66: {  	_ =	shalt  }
0x67: {  	_ =	shalt  }
0x68: {  	_ =	shalt  }
0x69: {  	_ =	shalt  }
0x6a: {  	_ =	shalt  }
0x6b: {  	_ =	shalt  }
0x6c: {  	_ =	shalt  }
0x6d: {  	_ =	shalt  }
0x6e: {  	_ =	shalt  }
0x6f: {  	_ =	shalt  }
0x70: {  	_ =	shalt  }
0x71: {  	_ =	shalt  }
0x72: {  	_ =	shalt  }
0x73: {  	_ =	shalt  }
0x74: {  	_ =	shalt  }
0x75: {  	_ =	shalt  }
0x76: {  	_ =	shalt  }
0x77: {  	_ =	shalt  }
0x78: {  	_ =	shalt  }
0x79: {  	_ =	shalt  }
0x7a: {  	_ =	shalt  }
0x7b: {  	_ =	shalt  }
0x7c: {  	_ =	shalt  }
0x7d: {  	_ =	shalt  }
0x7e: {  	_ =	shalt  }
0x7f: {  	_ =	shalt  }
0x80: {  	_ =	shalt  }
0x81: {  	_ =	shalt  }
0x82: {  	_ =	shalt  }
0x83: {  	_ =	shalt  }
0x84: {  	_ =	shalt  }
0x85: {  	_ =	shalt  }
0x86: {  	_ =	shalt  }
0x87: {  	_ =	shalt  }
.Lfunc_end0:
.L_simem_size_0:
called_computation_lowered:
.L_overlay_start_0:
0x88: {  	s2 =	sld [smem:$0x3FD9]  }
0x89: {  	s3 =	sld [smem:$0x3FFE];
	_ =	sdelay $0x1  }
0x8a: {  	s1 =	srdreg.scid  }
0x8b: {  	s0 =	sand.u32 $0x1, s1  }
0x8c: {  	s16 =	sshll.u32 s0, $0xA;
	s2 =	sadd.s32 s3, s2  }
0x8d: {  	s2 =	sadd.s32 s2, s16  }
0x8e: {  	[smem:$0x3FC4] =	sst s2  }
0x8f: {  	_ = 	snop  }
0x90: {  	(tm) =	ssettm $0x1  }
0x91: {  	s17 =	sld [smem:$0x3FFB];
	_ =	sdelay $0x3  }
0x92: {  	_ =	strace s17  }
0x93: {  	s2 =	sld [smem:$0x3FFC];
	_ =	sdelay $0x3  }
0x94: {  	_ =	strace s2  }
0x95: {  	s2 =	sld [smem:$0x3FFD];
	_ =	sdelay $0x3  }
0x96: {  	_ =	strace s2  }
0x97: {  	_ =	strace $0x8FFFFFFF  }
0x98: {  	s18 =	sld [smem:$0x3FDB];
	_ =	sdelay $0x1  }
0x99: {  	s19 =	simm.s32 $_scs_section_size  }
0x9a: {  	s4 =	simm.s32 $_size__tile_overlayer_lowered;
	s5 =	simm.s32 $_tile_overlayer_lowered  }
0x9b: {  	s22 =	simm.s32 $0x1BFF;
	s21 =	sshll.u32 s5, $0x1;
	s2 =	sadd.s32 s19, s18  }
0x9c: {  	s6 =	simm.s32 $0x0;
	s20 =	sshll.u32 s4, $0x1;
	s4 =	sadd.s32 s21, s2  }
0x9d: {  	[timem:s6], [sflag:s22] =	dma.local [hbm:s4], s20  }
0x9e: {  	_ =	swait.ge [sflag:s22], s20  }
0x9f: {  	s3 =	ssub.s32 $0x0, s20;
	[sflag:s22] =	ssyncset.done $0x0  }
0xa0: {  	[sflag:s22] =	ssyncadd.s32 s3;
	_ =	sdelay $0x1  }
0xa1: {  	s23 =	simm.s32 $0x1B8B  }
0xa2: {  	_ =	swait.ge [sflag:s23], $0x1  }
0xa3: {  	[sflag:s23] =	ssyncset.done $0x0  }
0xa4: {  	s25 =	simm.s32 $0x1B8E;
	s24 =	sld [smem:$0x3FFE];
	[sflag:s23] =	ssyncadd.s32 $0xFFFFFFFF  }
0xa5: {  	s26 =	simm.s32 $execute0_lowered;
	[smem:$0x3FD2] =	sst s25  }
0xa6: {  	s4 =	sshll.u32 s26, $0x1;
	_ =	strace $0x80000046;
	[dreg:$0x1] =	wrdreg $0xFFFFFFFF  }
0xa7: {  	s28 =	simm.s32 $_size_execute0_lowered;
	s2 =	sadd.s32 s2, s4;
	[dreg:$0x0] =	wrdreg $0x0  }
0xa8: {  	s4 =	sshll.u32 s28, $0x1;
	[dreg:$0x2] =	wrdreg s2  }
0xa9: {  	[dreg:$0x3] =	wrdreg s4  }
0xaa: {  	[dreg:$0x4] =	wrdreg $0xC0  }
0xab: {  	_ =	task [dreg:s6], $0x5FFFF  }
0xac: {  	[dreg:$0x1] =	wrdreg $0xFFFFFFFF  }
0xad: {  	[dreg:$0x0] =	wrdreg $0x60  }
0xae: {  	[dreg:$0x2] =	wrdreg s24  }
0xaf: {  	[dreg:$0x3] =	wrdreg $0x9  }
0xb0: {  	_ =	task.clear_ibuf [dreg:s6], $0x4FFFF;
	_ =	strace $0x90000046  }
0xb1: {  	s29 =	simm.s32 $0x9;
	_ =	strace $0x80000048  }
0xb2: {  	_ =	swait.ge [sflag:s29], $0x1  }
0xb3: {  	[sflag:s29] =	ssyncadd.s32 $0xFFFFFFFF  }
0xb4: {  	_ =	strace $0x90000048  }
0xb5: {  	_ =	sfence  }
0xb6: {  	s30 =	sld [smem:$0x0];
	_ =	sdelay $0x2  }
0xb7: {  	s31 =	sshll.u32 s1, $0xD;
	s1 =	sshrl.u32 s1, $0x2  }
0xb8: {  	s3 =	sand.u32 $0x4000, s31;
	s1 =	sadd.s32 s1, s30  }
0xb9: {  	s0 =	sor.u32 s3, s0;
	s1 =	sshll.u32 s1, $0x11  }
0xba: {  	s0 =	sor.u32 s1, s0  }
0xbb: {  	s0 =	sadd.s32 $0x8F2B, s0  }
0xbc: {  	[sflag:s0] =	ssyncadd.remote.s32 $0x1  }
0xbd: {  	_ =	sfence.sel $0xFFFF  }
0xbe: {  	[dreg:$0x0] =	wrdreg $0xFFFFFFFF;
	(pc) =	sbr.abs _section_cstart, $3  }
0xbf: {  	[dreg:$0x1] =	wrdreg $0xFFFFFFFF  }
0xc0: {  	_ =	task.clear_ibuf [dreg:s6], $0x2FFFF;
	_ =	strace $0x9FFFFFFF  }
0xc1: {  	(tm) =	ssettm $0x7FFFFFFF  }
tec
execute0_lowered:
.L_overlay_start_1:
0x0: {  	(tag) =	ssettag $0x1  }
0x1: {  	s0 =	srdreg.scid;
	s2 =	stileid.u32  }
0x2: {  	s1 =	rddreg [dreg:$0x0];
	s7 =	simm.s32 $0x9;
	s8 =	simm.s32 $0xC8  }
0x3: {  	s15 =	simm.s32 $0x320;
	s16 =	simm.s32 $0x9600;
	s17 =	simm.s32 $0x3E8  }
0x4: {  	s18 =	simm.s32 $0xA280;
	s19 =	simm.s32 $0x4B0;
	s20 =	simm.s32 $0xAF00  }
0x5: {  	s21 =	simm.s32 $0x578;
	s22 =	simm.s32 $0xBB80;
	s23 =	simm.s32 $0x1  }
0x6: {  	s24 =	simm.s32 $0x2;
	s25 =	simm.s32 $0x3;
	s28 =	simm.s32 $0x5  }
0x7: {  	s29 =	simm.s32 $0x6;
	s30 =	simm.s32 $0x7;
	s31 =	simm.s32 $0x8  }
0x8: {  	s0 =	sand.u32 $0x1, s0;
	s3 =	sshll.u32 s2, $0x8;
	s2 =	simm.s32 $0x0  }
0x9: {  	s4 =	sshll.u32 s0, $0x7;
	[smem:$0x7FF] =	sst s2;
	s0 =	ssub.s32 $0x2, s0  }
0xa: {  	s3 =	sor.u32 s4, s3;
	_ =	strace $0x80000047;
	s26 =	sshrl.u32 s0, $0x1  }
0xb: {  	s4 =	smul.u32 $0x19, s3;
	s5 =	sshll.u32 s3, $0x1;
	s0 =	ssub.s32 s0, s26  }
0xc: {  	s3 =	sadd.s32 $0x19600, s1;
	s26 =	simm.s32 $0x4;
	s6 =	smax.u32 s0, $0x1  }
0xd: {  	s0 =	simm.s32 $0x0;
	s4 =	sadd.s32 s4, s1;
	s1 =	sadd.s32 s5, s1  }
0xe: {  	s4 =	sadd.s32 $0x600, s4;
	s5 =	sadd.s32 $0x4A400, s1;
	s1 =	simm.s32 $0xC800  }
.LBB2_1:
0xf: {  	[tilespmem:s2], [sflag:$0x9] =	stream.linear.gather [hbm4b:s4+s2], $0x6400, $0x38;
	[tilespmem:$0xD000] =	vst v63  }
0x10: {  	_ =	swait.ge [sflag:s7], $0x6400  }
0x11: {  	[sflag:s7] =	ssyncset.done $0x0  }
0x12: {  	s9 =	simm.s32 $0x6400;
	[sflag:s7] =	ssyncadd.s32 $0xFFFF9C00  }
0x13: {  	[tilespmem:s9], [sflag:$0x1] =	stream.indirect.gather [hbm4b:s3+s8], $0x10, s2, s8, $0xb8;
	[tilespmem:$0xD000] =	vst v63  }
0x14: {  	s11 =	simm.s32 $0x7080  }
0x15: {  	[tilespmem:s11], [sflag:$0x2] =	stream.indirect.gather [hbm4b:s3+s8], $0x10, s8, s8, $0xb8;
	[tilespmem:$0xD000] =	vst v63  }
0x16: {  	s12 =	simm.s32 $0x190;
	s10 =	simm.s32 $0x7D00  }
0x17: {  	[tilespmem:s10], [sflag:$0x3] =	stream.indirect.gather [hbm4b:s3+s8], $0x10, s12, s8, $0xb8;
	[tilespmem:$0xD000] =	vst v63  }
0x18: {  	s13 =	simm.s32 $0x258;
	s14 =	simm.s32 $0x8980  }
0x19: {  	[tilespmem:s14], [sflag:$0x4] =	stream.indirect.gather [hbm4b:s3+s8], $0x10, s13, s8, $0xb8;
	[tilespmem:$0xD000] =	vst v63  }
0x1a: {  	_ = 	snop  }
0x1b: {  	[tilespmem:s16], [sflag:$0x5] =	stream.indirect.gather [hbm4b:s3+s8], $0x10, s15, s8, $0xb8;
	[tilespmem:$0xD000] =	vst v63  }
0x1c: {  	_ = 	snop  }
0x1d: {  	[tilespmem:s18], [sflag:$0x6] =	stream.indirect.gather [hbm4b:s3+s8], $0x10, s17, s8, $0xb8;
	[tilespmem:$0xD000] =	vst v63  }
0x1e: {  	_ = 	snop  }
0x1f: {  	[tilespmem:s20], [sflag:$0x7] =	stream.indirect.gather [hbm4b:s3+s8], $0x10, s19, s8, $0xb8;
	[tilespmem:$0xD000] =	vst v63  }
0x20: {  	s9 =	simm.s32 $0x0  }
0x21: {  	[tilespmem:s22], [sflag:$0x8] =	stream.indirect.gather [hbm4b:s3+s8], $0x10, s21, s8, $0xb8;
	[tilespmem:$0xD000] =	vst v63  }
.LBB2_2:
0x22: {  	p0 =	seq.s32 s9, $0xF  }
0x23: {  	s10 =	smul.u32 @!p0 $0x1900, s9  }
0x24: {  	_ =	swait.ge [sflag:s23], $0xC80;
	s14 =	simm.s32 $0x0  }
0x25: {  	[sflag:s23] =	ssyncset.done $0x0;
	s12 =	simm.s32 @!p0 $0xC8;
	s11 =	sshra.s32 @!p0 s10, $0x2  }
0x26: {  	s13 =	simm.s32 @!p0 $0x6400;
	[sflag:s23] =	ssyncadd.s32 $0xFFFFF380;
	s10 =	sadd.s32 @!p0 $0x640, s11  }
0x27: {  	[tilespmem:s13], [sflag:$0x1] =	stream.indirect.gather @!p0 [hbm4b:s3+s12], $0x10, s10, s12, $0xb8;
	[tilespmem:$0xD000] =	vst v63  }
0x28: {  	v1 =	vld [tilespmem:s14+$0x6430]  }
0x29: {  	v2 =	vld [tilespmem:s14+$0x6400]  }
0x2a: {  	v0 =	vimm.f32 $0.0e+00;
	v3 =	vld [tilespmem:s14+$0x6410]  }
0x2b: {  	v5 =	vimm.f32 $0.0e+00;
	v6 =	vimm.f32 $0.0e+00;
	v7 =	vimm.f32 $0.0e+00;
	s10 =	simm.s32 $0x100;
	v4 =	vld [tilespmem:s14+$0x6420]  }
.LBB2_3:
0x2c: {  	p1 =	sne.s32 s10, $0x3100  }
.Ltmp0:
0x2d: {  	s12 =	sshra.s32 s10, $0x2;
	s10 =	sadd.s32 $0x100, s10;
	v0 =	vadd.f32 v1, v0;
	(pc) =	sbr.rel @p1 .LBB2_3-.Ltmp0, $4  }
0x2e: {  	v1 =	vld [tilespmem:s12+$0x6430];
	v5 =	vadd.f32 v2, v5  }
0x2f: {  	v2 =	vld [tilespmem:s12+$0x6400];
	v6 =	vadd.f32 v3, v6  }
0x30: {  	v3 =	vld [tilespmem:s12+$0x6410];
	v7 =	vadd.f32 v4, v7  }
0x31: {  	v4 =	vld [tilespmem:s12+$0x6420]  }
0x32: {  	_ =	sdelay $0x2  }
0x33: {  	v0 =	vadd.f32 v1, v0;
	v1 =	vadd.f32 v2, v5  }
0x34: {  	v2 =	vadd.f32 v3, v6;
	v3 =	vadd.f32 v4, v7;
	_ =	sdelay $0x1  }
0x35: {  	v1 =	vadd.f32 v2, v1;
	v0 =	vadd.f32 v0, v3;
	_ =	sdelay $0x1  }
0x36: {  	s10 =	sshll.u32 s9, $0x7;
	v0 =	vadd.f32 v0, v1  }
0x37: {  	s10 =	sand.u32 $0x3FFFFF80, s10  }
0x38: {  	[tilespmem:s10+$0xC800] =	vst v0  }
0x39: {  	_ =	swait.ge [sflag:s24], $0xC80  }
0x3a: {  	s12 =	sadd.s32 @!p0 $0x708, s11;
	[sflag:s24] =	ssyncset.done $0x0  }
0x3b: {  	s13 =	simm.s32 @!p0 $0xC8;
	s14 =	simm.s32 @!p0 $0x7080;
	[sflag:s24] =	ssyncadd.s32 $0xFFFFF380  }
0x3c: {  	[tilespmem:s14], [sflag:$0x2] =	stream.indirect.gather @!p0 [hbm4b:s3+s13], $0x10, s12, s13, $0xb8;
	[tilespmem:$0xD000] =	vst v63  }
0x3d: {  	s14 =	simm.s32 $0x0  }
0x3e: {  	v1 =	vld [tilespmem:s14+$0x70B0]  }
0x3f: {  	v2 =	vld [tilespmem:s14+$0x7080]  }
0x40: {  	v5 =	vimm.f32 $0.0e+00;
	v3 =	vld [tilespmem:s14+$0x7090]  }
0x41: {  	v6 =	vimm.f32 $0.0e+00;
	v7 =	vimm.f32 $0.0e+00;
	v0 =	vimm.f32 $0.0e+00;
	s12 =	simm.s32 $0x100;
	v4 =	vld [tilespmem:s14+$0x70A0]  }
.LBB2_5:
0x42: {  	p1 =	sne.s32 s12, $0x3100  }
.Ltmp1:
0x43: {  	s13 =	sshra.s32 s12, $0x2;
	s12 =	sadd.s32 $0x100, s12;
	v0 =	vadd.f32 v1, v0;
	(pc) =	sbr.rel @p1 .LBB2_5-.Ltmp1, $4  }
0x44: {  	v1 =	vld [tilespmem:s13+$0x70B0];
	v5 =	vadd.f32 v2, v5  }
0x45: {  	v2 =	vld [tilespmem:s13+$0x7080];
	v6 =	vadd.f32 v3, v6  }
0x46: {  	v3 =	vld [tilespmem:s13+$0x7090];
	v7 =	vadd.f32 v4, v7  }
0x47: {  	v4 =	vld [tilespmem:s13+$0x70A0]  }
0x48: {  	_ =	sdelay $0x2  }
0x49: {  	v0 =	vadd.f32 v1, v0;
	v1 =	vadd.f32 v2, v5  }
0x4a: {  	v2 =	vadd.f32 v3, v6;
	v3 =	vadd.f32 v4, v7;
	_ =	sdelay $0x1  }
0x4b: {  	v1 =	vadd.f32 v2, v1;
	v0 =	vadd.f32 v0, v3;
	_ =	sdelay $0x1  }
0x4c: {  	v0 =	vadd.f32 v0, v1;
	_ =	sdelay $0x1  }
0x4d: {  	[tilespmem:s10+$0xC810] =	vst v0  }
0x4e: {  	_ =	swait.ge [sflag:s25], $0xC80  }
0x4f: {  	s12 =	sadd.s32 @!p0 $0x7D0, s11;
	[sflag:s25] =	ssyncset.done $0x0  }
0x50: {  	s13 =	simm.s32 @!p0 $0xC8;
	s14 =	simm.s32 @!p0 $0x7D00;
	[sflag:s25] =	ssyncadd.s32 $0xFFFFF380  }
0x51: {  	[tilespmem:s14], [sflag:$0x3] =	stream.indirect.gather @!p0 [hbm4b:s3+s13], $0x10, s12, s13, $0xb8;
	[tilespmem:$0xD000] =	vst v63  }
0x52: {  	s14 =	simm.s32 $0x0  }
0x53: {  	v1 =	vld [tilespmem:s14+$0x7D30]  }
0x54: {  	v2 =	vld [tilespmem:s14+$0x7D00]  }
0x55: {  	v5 =	vimm.f32 $0.0e+00;
	v3 =	vld [tilespmem:s14+$0x7D10]  }
0x56: {  	v6 =	vimm.f32 $0.0e+00;
	v7 =	vimm.f32 $0.0e+00;
	v0 =	vimm.f32 $0.0e+00;
	s12 =	simm.s32 $0x100;
	v4 =	vld [tilespmem:s14+$0x7D20]  }
.LBB2_7:
0x57: {  	p1 =	sne.s32 s12, $0x3100  }
.Ltmp2:
0x58: {  	s13 =	sshra.s32 s12, $0x2;
	s12 =	sadd.s32 $0x100, s12;
	v0 =	vadd.f32 v1, v0;
	(pc) =	sbr.rel @p1 .LBB2_7-.Ltmp2, $4  }
0x59: {  	v1 =	vld [tilespmem:s13+$0x7D30];
	v5 =	vadd.f32 v2, v5  }
0x5a: {  	v2 =	vld [tilespmem:s13+$0x7D00];
	v6 =	vadd.f32 v3, v6  }
0x5b: {  	v3 =	vld [tilespmem:s13+$0x7D10];
	v7 =	vadd.f32 v4, v7  }
0x5c: {  	v4 =	vld [tilespmem:s13+$0x7D20]  }
0x5d: {  	_ =	sdelay $0x2  }
0x5e: {  	v0 =	vadd.f32 v1, v0;
	v1 =	vadd.f32 v2, v5  }
0x5f: {  	v2 =	vadd.f32 v3, v6;
	v3 =	vadd.f32 v4, v7;
	_ =	sdelay $0x1  }
0x60: {  	v1 =	vadd.f32 v2, v1;
	v0 =	vadd.f32 v0, v3;
	_ =	sdelay $0x1  }
0x61: {  	v0 =	vadd.f32 v0, v1;
	_ =	sdelay $0x1  }
0x62: {  	[tilespmem:s10+$0xC820] =	vst v0  }
0x63: {  	_ =	swait.ge [sflag:s26], $0xC80  }
0x64: {  	s12 =	sadd.s32 @!p0 $0x898, s11;
	[sflag:s26] =	ssyncset.done $0x0  }
0x65: {  	s13 =	simm.s32 @!p0 $0xC8;
	s14 =	simm.s32 @!p0 $0x8980;
	[sflag:s26] =	ssyncadd.s32 $0xFFFFF380  }
0x66: {  	[tilespmem:s14], [sflag:$0x4] =	stream.indirect.gather @!p0 [hbm4b:s3+s13], $0x10, s12, s13, $0xb8;
	[tilespmem:$0xD000] =	vst v63  }
0x67: {  	s14 =	simm.s32 $0x0  }
0x68: {  	v1 =	vld [tilespmem:s14+$0x89B0]  }
0x69: {  	v2 =	vld [tilespmem:s14+$0x8980]  }
0x6a: {  	v5 =	vimm.f32 $0.0e+00;
	v3 =	vld [tilespmem:s14+$0x8990]  }
0x6b: {  	v6 =	vimm.f32 $0.0e+00;
	v7 =	vimm.f32 $0.0e+00;
	v0 =	vimm.f32 $0.0e+00;
	s12 =	simm.s32 $0x100;
	v4 =	vld [tilespmem:s14+$0x89A0]  }
.LBB2_9:
0x6c: {  	p1 =	sne.s32 s12, $0x3100  }
.Ltmp3:
0x6d: {  	s13 =	sshra.s32 s12, $0x2;
	s12 =	sadd.s32 $0x100, s12;
	v0 =	vadd.f32 v1, v0;
	(pc) =	sbr.rel @p1 .LBB2_9-.Ltmp3, $4  }
0x6e: {  	v1 =	vld [tilespmem:s13+$0x89B0];
	v5 =	vadd.f32 v2, v5  }
0x6f: {  	v2 =	vld [tilespmem:s13+$0x8980];
	v6 =	vadd.f32 v3, v6  }
0x70: {  	v3 =	vld [tilespmem:s13+$0x8990];
	v7 =	vadd.f32 v4, v7  }
0x71: {  	v4 =	vld [tilespmem:s13+$0x89A0]  }
0x72: {  	_ =	sdelay $0x2  }
0x73: {  	v0 =	vadd.f32 v1, v0;
	v1 =	vadd.f32 v2, v5  }
0x74: {  	v2 =	vadd.f32 v3, v6;
	v3 =	vadd.f32 v4, v7;
	_ =	sdelay $0x1  }
0x75: {  	v1 =	vadd.f32 v2, v1;
	v0 =	vadd.f32 v0, v3;
	_ =	sdelay $0x1  }
0x76: {  	v0 =	vadd.f32 v0, v1;
	_ =	sdelay $0x1  }
0x77: {  	[tilespmem:s10+$0xC830] =	vst v0  }
0x78: {  	_ =	swait.ge [sflag:s28], $0xC80  }
0x79: {  	s12 =	sadd.s32 @!p0 $0x960, s11;
	[sflag:s28] =	ssyncset.done $0x0  }
0x7a: {  	s13 =	simm.s32 @!p0 $0xC8;
	s14 =	simm.s32 @!p0 $0x9600;
	[sflag:s28] =	ssyncadd.s32 $0xFFFFF380  }
0x7b: {  	[tilespmem:s14], [sflag:$0x5] =	stream.indirect.gather @!p0 [hbm4b:s3+s13], $0x10, s12, s13, $0xb8;
	[tilespmem:$0xD000] =	vst v63  }
0x7c: {  	s14 =	simm.s32 $0x0  }
0x7d: {  	v1 =	vld [tilespmem:s14+$0x9630]  }
0x7e: {  	v2 =	vld [tilespmem:s14+$0x9600]  }
0x7f: {  	v5 =	vimm.f32 $0.0e+00;
	v3 =	vld [tilespmem:s14+$0x9610]  }
0x80: {  	v6 =	vimm.f32 $0.0e+00;
	v7 =	vimm.f32 $0.0e+00;
	v0 =	vimm.f32 $0.0e+00;
	s12 =	simm.s32 $0x100;
	v4 =	vld [tilespmem:s14+$0x9620]  }
.LBB2_11:
0x81: {  	p1 =	sne.s32 s12, $0x3100  }
.Ltmp4:
0x82: {  	s13 =	sshra.s32 s12, $0x2;
	s12 =	sadd.s32 $0x100, s12;
	v0 =	vadd.f32 v1, v0;
	(pc) =	sbr.rel @p1 .LBB2_11-.Ltmp4, $4  }
0x83: {  	v1 =	vld [tilespmem:s13+$0x9630];
	v5 =	vadd.f32 v2, v5  }
0x84: {  	v2 =	vld [tilespmem:s13+$0x9600];
	v6 =	vadd.f32 v3, v6  }
0x85: {  	v3 =	vld [tilespmem:s13+$0x9610];
	v7 =	vadd.f32 v4, v7  }
0x86: {  	v4 =	vld [tilespmem:s13+$0x9620]  }
0x87: {  	_ =	sdelay $0x2  }
0x88: {  	v0 =	vadd.f32 v1, v0;
	v1 =	vadd.f32 v2, v5  }
0x89: {  	v2 =	vadd.f32 v3, v6;
	v3 =	vadd.f32 v4, v7;
	_ =	sdelay $0x1  }
0x8a: {  	v1 =	vadd.f32 v2, v1;
	v0 =	vadd.f32 v0, v3;
	_ =	sdelay $0x1  }
0x8b: {  	v0 =	vadd.f32 v0, v1;
	_ =	sdelay $0x1  }
0x8c: {  	[tilespmem:s10+$0xC840] =	vst v0  }
0x8d: {  	_ =	swait.ge [sflag:s29], $0xC80  }
0x8e: {  	s12 =	sadd.s32 @!p0 $0xA28, s11;
	[sflag:s29] =	ssyncset.done $0x0  }
0x8f: {  	s13 =	simm.s32 @!p0 $0xC8;
	s14 =	simm.s32 @!p0 $0xA280;
	[sflag:s29] =	ssyncadd.s32 $0xFFFFF380  }
0x90: {  	[tilespmem:s14], [sflag:$0x6] =	stream.indirect.gather @!p0 [hbm4b:s3+s13], $0x10, s12, s13, $0xb8;
	[tilespmem:$0xD000] =	vst v63  }
0x91: {  	s14 =	simm.s32 $0x0  }
0x92: {  	v1 =	vld [tilespmem:s14+$0xA2B0]  }
0x93: {  	v2 =	vld [tilespmem:s14+$0xA280]  }
0x94: {  	v5 =	vimm.f32 $0.0e+00;
	v3 =	vld [tilespmem:s14+$0xA290]  }
0x95: {  	v6 =	vimm.f32 $0.0e+00;
	v7 =	vimm.f32 $0.0e+00;
	v0 =	vimm.f32 $0.0e+00;
	s12 =	simm.s32 $0x100;
	v4 =	vld [tilespmem:s14+$0xA2A0]  }
.LBB2_13:
0x96: {  	p1 =	sne.s32 s12, $0x3100  }
.Ltmp5:
0x97: {  	s13 =	sshra.s32 s12, $0x2;
	s12 =	sadd.s32 $0x100, s12;
	v0 =	vadd.f32 v1, v0;
	(pc) =	sbr.rel @p1 .LBB2_13-.Ltmp5, $4  }
0x98: {  	v1 =	vld [tilespmem:s13+$0xA2B0];
	v5 =	vadd.f32 v2, v5  }
0x99: {  	v2 =	vld [tilespmem:s13+$0xA280];
	v6 =	vadd.f32 v3, v6  }
0x9a: {  	v3 =	vld [tilespmem:s13+$0xA290];
	v7 =	vadd.f32 v4, v7  }
0x9b: {  	v4 =	vld [tilespmem:s13+$0xA2A0]  }
0x9c: {  	_ =	sdelay $0x2  }
0x9d: {  	v0 =	vadd.f32 v1, v0;
	v1 =	vadd.f32 v2, v5  }
0x9e: {  	v2 =	vadd.f32 v3, v6;
	v3 =	vadd.f32 v4, v7;
	_ =	sdelay $0x1  }
0x9f: {  	v1 =	vadd.f32 v2, v1;
	v0 =	vadd.f32 v0, v3;
	_ =	sdelay $0x1  }
0xa0: {  	v0 =	vadd.f32 v0, v1;
	_ =	sdelay $0x1  }
0xa1: {  	[tilespmem:s10+$0xC850] =	vst v0  }
0xa2: {  	_ =	swait.ge [sflag:s30], $0xC80  }
0xa3: {  	s12 =	sadd.s32 @!p0 $0xAF0, s11;
	[sflag:s30] =	ssyncset.done $0x0  }
0xa4: {  	s13 =	simm.s32 @!p0 $0xC8;
	s14 =	simm.s32 @!p0 $0xAF00;
	[sflag:s30] =	ssyncadd.s32 $0xFFFFF380  }
0xa5: {  	[tilespmem:s14], [sflag:$0x7] =	stream.indirect.gather @!p0 [hbm4b:s3+s13], $0x10, s12, s13, $0xb8;
	[tilespmem:$0xD000] =	vst v63  }
0xa6: {  	s14 =	simm.s32 $0x0  }
0xa7: {  	v1 =	vld [tilespmem:s14+$0xAF30]  }
0xa8: {  	v2 =	vld [tilespmem:s14+$0xAF00]  }
0xa9: {  	v5 =	vimm.f32 $0.0e+00;
	v3 =	vld [tilespmem:s14+$0xAF10]  }
0xaa: {  	v6 =	vimm.f32 $0.0e+00;
	v7 =	vimm.f32 $0.0e+00;
	v0 =	vimm.f32 $0.0e+00;
	s12 =	simm.s32 $0x100;
	v4 =	vld [tilespmem:s14+$0xAF20]  }
.LBB2_15:
0xab: {  	p1 =	sne.s32 s12, $0x3100  }
.Ltmp6:
0xac: {  	s13 =	sshra.s32 s12, $0x2;
	s12 =	sadd.s32 $0x100, s12;
	v0 =	vadd.f32 v1, v0;
	(pc) =	sbr.rel @p1 .LBB2_15-.Ltmp6, $4  }
0xad: {  	v1 =	vld [tilespmem:s13+$0xAF30];
	v5 =	vadd.f32 v2, v5  }
0xae: {  	v2 =	vld [tilespmem:s13+$0xAF00];
	v6 =	vadd.f32 v3, v6  }
0xaf: {  	v3 =	vld [tilespmem:s13+$0xAF10];
	v7 =	vadd.f32 v4, v7  }
0xb0: {  	v4 =	vld [tilespmem:s13+$0xAF20]  }
0xb1: {  	_ =	sdelay $0x2  }
0xb2: {  	v0 =	vadd.f32 v1, v0;
	v1 =	vadd.f32 v2, v5  }
0xb3: {  	v2 =	vadd.f32 v3, v6;
	v3 =	vadd.f32 v4, v7;
	_ =	sdelay $0x1  }
0xb4: {  	v1 =	vadd.f32 v2, v1;
	v0 =	vadd.f32 v0, v3;
	_ =	sdelay $0x1  }
0xb5: {  	v0 =	vadd.f32 v0, v1;
	_ =	sdelay $0x1  }
0xb6: {  	[tilespmem:s10+$0xC860] =	vst v0  }
0xb7: {  	_ =	swait.ge [sflag:s31], $0xC80  }
0xb8: {  	s11 =	sadd.s32 @!p0 $0xBB8, s11;
	s12 =	simm.s32 @!p0 $0xC8;
	[sflag:s31] =	ssyncset.done $0x0  }
0xb9: {  	s13 =	simm.s32 @!p0 $0xBB80;
	s14 =	simm.s32 $0x0;
	[sflag:s31] =	ssyncadd.s32 $0xFFFFF380  }
0xba: {  	[tilespmem:s13], [sflag:$0x8] =	stream.indirect.gather @!p0 [hbm4b:s3+s12], $0x10, s11, s12, $0xb8;
	[tilespmem:$0xD000] =	vst v63  }
0xbb: {  	v1 =	vld [tilespmem:s14+$0xBBB0]  }
0xbc: {  	v2 =	vld [tilespmem:s14+$0xBB80]  }
0xbd: {  	v5 =	vimm.f32 $0.0e+00;
	v3 =	vld [tilespmem:s14+$0xBB90]  }
0xbe: {  	v6 =	vimm.f32 $0.0e+00;
	v7 =	vimm.f32 $0.0e+00;
	v0 =	vimm.f32 $0.0e+00;
	s11 =	simm.s32 $0x100;
	v4 =	vld [tilespmem:s14+$0xBBA0]  }
.LBB2_17:
0xbf: {  	p0 =	sne.s32 s11, $0x3100  }
.Ltmp7:
0xc0: {  	s12 =	sshra.s32 s11, $0x2;
	s11 =	sadd.s32 $0x100, s11;
	v0 =	vadd.f32 v1, v0;
	(pc) =	sbr.rel @p0 .LBB2_17-.Ltmp7, $4  }
0xc1: {  	v1 =	vld [tilespmem:s12+$0xBBB0];
	v5 =	vadd.f32 v2, v5  }
0xc2: {  	v2 =	vld [tilespmem:s12+$0xBB80];
	v6 =	vadd.f32 v3, v6  }
0xc3: {  	v3 =	vld [tilespmem:s12+$0xBB90];
	v7 =	vadd.f32 v4, v7  }
0xc4: {  	v4 =	vld [tilespmem:s12+$0xBBA0]  }
0xc5: {  	_ =	sdelay $0x2  }
0xc6: {  	v0 =	vadd.f32 v1, v0;
	v61 =	vadd.f32 v2, v5  }
0xc7: {  	s9 =	sadd.s32 $0x1, s9;
	v62 =	vadd.f32 v3, v6;
	v63 =	vadd.f32 v4, v7  }
0xc8: {  	p0 =	sne.s32 s9, $0x10  }
.Ltmp8:
0xc9: {  	v1 =	vadd.f32 v62, v61;
	v0 =	vadd.f32 v0, v63;
	(pc) =	sbr.rel @p0 .LBB2_2-.Ltmp8, $3  }
0xca: {  	_ = 	snop  }
0xcb: {  	v0 =	vadd.f32 v0, v1;
	_ =	sdelay $0x1  }
0xcc: {  	[tilespmem:s10+$0xC870] =	vst v0  }
0xcd: {  	s0 =	sadd.s32 $0x1, s0  }
0xce: {  	p0 =	sne.s32 s0, s6  }
.Ltmp9:
0xcf: {  	_ = 	snop;
	(pc) =	sbr.rel @p0 .LBB2_1-.Ltmp9, $4  }
0xd0: {  	[hbm4b:s5+s2] =	stream.linear.scatter [tilespmem:s1], [sflag:$0x9], $0x800, $0x38;
	[tilespmem:$0xD000] =	vst v63  }
0xd1: {  	_ =	swait.ge [sflag:s7], $0x800  }
0xd2: {  	[sflag:s7] =	ssyncset.done $0x0  }
0xd3: {  	[sflag:s7] =	ssyncadd.s32 $0xFFFFF800  }
0xd4: {  	_ =	sfence.sel $0x180000  }
0xd5: {  	[bflag:$0x0] =	sbarrier.arrive $0xFFFF  }
0xd6: {  	_ =	strace $0x90000047  }
0xd7: {  	s0 =	stileid.u32;
	[bflag:$0x2] =	sbarrier.arrive $0xFFFF  }
0xd8: {  	p0 =	sne.s32 s0, $0x0;
	s0 =	rddreg [dreg:$0x1]  }
0xd9: {  	s0 =	sadd.s32 @!p0 $0x100000, s0  }
0xda: {  	[sflag:s0] =	ssyncadd.tile.s32 @!p0 $0x1;
	_ =	shalt  }
.Lfunc_end2:
_tile_overlayer_lowered:
.L_overlay_start_2:
0xdb: {  	(tag) =	ssettag $0x2  }
0xdc: {  	s0 =	rddreg [dreg:$0x0];
	s2 =	stileid.u32  }
0xdd: {  	s1 =	rddreg [dreg:$0x1];
	p0 =	sne.s32 s2, $0x0  }
0xde: {  	s3 =	rddreg [dreg:$0x2];
	[bflag:$0x3] =	sbarrier.arrive $0xFFFF;
	s2 =	simm.s32 @!p0 $0x1C09  }
0xdf: {  	[timem:s3], [sflag:s2] =	dma.local @!p0 [hbm:s0], s1  }
0xe0: {  	s0 =	simm.s32 @!p0 $0x9  }
0xe1: {  	_ =	swait.ge @!p0 [sflag:s0], s1  }
0xe2: {  	s1 =	ssub.s32 @!p0 $0x0, s1;
	[sflag:s0] =	ssyncset.done @!p0 $0x0  }
0xe3: {  	[sflag:s0] =	ssyncadd.s32 @!p0 s1  }
0xe4: {  	[bflag:$0x3] =	sbarrier.arrive $0xFFFF  }
0xe5: {  	_ =	shalt  }

</sc_bundles>
